<compile_context>
chip_gen: v7x
topology: tpu7x:2x2x1
jax: 0.10.2.dev20260603
libtpu: 0.0.44.dev20260713+nightly
codegen_flags: <defaults>
</compile_context>

<pallas_src>
import functools

import jax
import jax.numpy as jnp
from jax import lax
from jax.experimental import pallas as pl
from jax.experimental.pallas import tpu as pltpu
from jax.experimental.pallas import tpu_sc as plsc

N_NODES = 50000
ATOM_DIM = 32
BOND_DIM = 16
N_EDGES = 100000
QUARTER = N_EDGES // 4
Q_ROWS = QUARTER

NC = 2
NS = 16
NW = NC * NS

W_CHUNK = 3128
W_TAIL = QUARTER - 7 * W_CHUNK

TC_BLOCK4 = 1024
TC_GRID = (Q_ROWS + TC_BLOCK4 - 1) // TC_BLOCK4

ACC_ROWS = 50048
ZERO_ROWS = ACC_ROWS // NS
OUT_ROWS = N_NODES // NS
HALF = ATOM_DIM // 2


def _gather_body(atom_hbm, cols_hbm, out_hbm, idx_v, rows_v, sem):
    wid = lax.axis_index("s") * NC + lax.axis_index("c")
    q = wid // 8
    j = wid % 8
    base_e = q * QUARTER + j * W_CHUNK
    base_r = j * W_CHUNK

    def go(size):
        pltpu.sync_copy(cols_hbm.at[pl.ds(N_EDGES + base_e, size)],
                        idx_v.at[pl.ds(0, size)])
        pltpu.async_copy(atom_hbm.at[idx_v.at[pl.ds(0, size)]],
                         rows_v.at[pl.ds(0, size)], sem).wait()
        pltpu.sync_copy(rows_v.at[pl.ds(0, size)],
                        out_hbm.at[pl.ds(base_r, size),
                                   pl.ds(q * ATOM_DIM, ATOM_DIM)])

    @pl.when(j < 7)
    def _():
        go(W_CHUNK)

    @pl.when(j == 7)
    def _():
        go(W_TAIL)


def _sc_gather(atom_features, cols_flat):
    mesh = plsc.VectorSubcoreMesh(core_axis_name="c", subcore_axis_name="s")
    k = functools.partial(
        pl.kernel,
        mesh=mesh,
        out_type=jax.ShapeDtypeStruct((Q_ROWS, 128), jnp.float32),
        scratch_types=[
            pltpu.VMEM((W_CHUNK,), jnp.int32),
            pltpu.VMEM((W_CHUNK, ATOM_DIM), jnp.float32),
            pltpu.SemaphoreType.DMA,
        ],
        compiler_params=pltpu.CompilerParams(use_tc_tiling_on_sc=False),
    )(_gather_body)
    return k(atom_features, cols_flat)
    


def _tc_body(bond_ref, nbr_ref, wbig_ref, rbig_ref, fbig_ref, bbig_ref,
             out_ref):
    bond4 = bond_ref[...]
    nbr4 = nbr_ref[...]
    bond_rep = jnp.dot(bond4, rbig_ref[...],
                       preferred_element_type=jnp.float32)
    g = jnp.dot(nbr4, wbig_ref[...], preferred_element_type=jnp.float32)
    tr = jnp.dot(bond_rep * g, fbig_ref[...],
                 preferred_element_type=jnp.float32)
    tr = tr + jnp.dot(nbr4, bbig_ref[...], preferred_element_type=jnp.float32)
    out_ref[...] = tr


def _tc_transform(bond4, nbr4, wbig, rbig, fbig, bbig):
    return pl.pallas_call(
        _tc_body,
        grid=(TC_GRID,),
        in_specs=[
            pl.BlockSpec((TC_BLOCK4, 64), lambda i: (i, 0)),
            pl.BlockSpec((TC_BLOCK4, 128), lambda i: (i, 0)),
            pl.BlockSpec((128, 2048), lambda i: (0, 0)),
            pl.BlockSpec((64, 2048), lambda i: (0, 0)),
            pl.BlockSpec((2048, 128), lambda i: (0, 0)),
            pl.BlockSpec((128, 128), lambda i: (0, 0)),
        ],
        out_specs=pl.BlockSpec((TC_BLOCK4, 128), lambda i: (i, 0)),
        out_shape=jax.ShapeDtypeStruct((Q_ROWS, 128), jnp.float32),
    )(bond4, nbr4, wbig, rbig, fbig, bbig)


SUB_A = 1568
SUB_B_FULL = W_CHUNK - SUB_A
SUB_B_TAIL = W_TAIL - SUB_A


def _scatter_body(cols_hbm, t_hbm, zeros_hbm, out_hbm, acc,
                  idx_a, idx_b, rows_a, rows_b, sem_ia, sem_ib, sem_ra,
                  sem_rb):
    cid = lax.axis_index("c")
    sid = lax.axis_index("s")
    j = sid % 8
    lane0 = cid * HALF

    bufs = [(idx_a, rows_a, sem_ia, sem_ra), (idx_b, rows_b, sem_ib, sem_rb)]

    def go(sub_b):
        subs = []
        for step in range(2):
            c = sid + NS * step
            q = c // 8
            base_e = q * QUARTER + j * W_CHUNK
            base_r = j * W_CHUNK
            qlane = q * ATOM_DIM + lane0
            subs.append((base_e, base_r, qlane, SUB_A))
            subs.append((base_e + SUB_A, base_r + SUB_A, qlane, sub_b))

        def fetch(i, b):
            base_e, base_r, qlane, size = subs[i]
            idx_v, rows_v, sem_i, sem_r = bufs[b]
            di = pltpu.async_copy(cols_hbm.at[pl.ds(base_e, size)],
                                  idx_v.at[pl.ds(0, size)], sem_i)
            dr = pltpu.async_copy(
                t_hbm.at[pl.ds(base_r, size), pl.ds(qlane, HALF)],
                rows_v.at[pl.ds(0, size)], sem_r)
            return di, dr

        pending = fetch(0, 0)
        pltpu.sync_copy(zeros_hbm, acc.at[pl.ds(sid * ZERO_ROWS, ZERO_ROWS)])
        plsc.subcore_barrier()
        for i in range(4):
            nxt = fetch(i + 1, (i + 1) % 2) if i < 3 else None
            di, dr = pending
            di.wait()
            dr.wait()
            size = subs[i][3]
            idx_v, rows_v, _, _ = bufs[i % 2]
            pltpu.sync_copy(rows_v.at[pl.ds(0, size)],
                            acc.at[idx_v.at[pl.ds(0, size)]], add=True)
            pending = nxt

    @pl.when(j < 7)
    def _():
        go(SUB_B_FULL)

    @pl.when(j == 7)
    def _():
        go(SUB_B_TAIL)

    plsc.subcore_barrier()
    obase = sid * OUT_ROWS
    pltpu.sync_copy(acc.at[pl.ds(obase, OUT_ROWS)],
                    out_hbm.at[pl.ds(obase, OUT_ROWS), pl.ds(cid * HALF, HALF)])


def _sc_scatter(cols_flat, t4, zeros_block):
    mesh = plsc.VectorSubcoreMesh(core_axis_name="c", subcore_axis_name="s")
    k = functools.partial(
        pl.kernel,
        mesh=mesh,
        out_type=jax.ShapeDtypeStruct((N_NODES, ATOM_DIM), jnp.float32),
        scratch_types=[
            pltpu.VMEM_SHARED((ACC_ROWS, HALF), jnp.float32),
            pltpu.VMEM((SUB_A,), jnp.int32),
            pltpu.VMEM((SUB_A,), jnp.int32),
            pltpu.VMEM((SUB_A, HALF), jnp.float32),
            pltpu.VMEM((SUB_A, HALF), jnp.float32),
            pltpu.SemaphoreType.DMA,
            pltpu.SemaphoreType.DMA,
            pltpu.SemaphoreType.DMA,
            pltpu.SemaphoreType.DMA,
        ],
        compiler_params=pltpu.CompilerParams(use_tc_tiling_on_sc=False),
    )(_scatter_body)
    return k(cols_flat, t4, zeros_block)


def kernel(atom_features, bond_features, pair_indices, kernel, bias):
    cols_flat = pair_indices.T.reshape(2 * N_EDGES)
    kdim = BOND_DIM * ATOM_DIM
    wt2 = kernel.reshape(BOND_DIM, ATOM_DIM, ATOM_DIM).transpose(2, 0, 1)
    wt2 = wt2.reshape(ATOM_DIM, kdim)
    b2t = bias.reshape(ATOM_DIM, ATOM_DIM).T
    c_ids = jnp.arange(kdim, dtype=jnp.int32)
    r = (c_ids[None, :] // ATOM_DIM
         == jnp.arange(BOND_DIM, dtype=jnp.int32)[:, None]).astype(jnp.float32)
    f = (c_ids[:, None] % ATOM_DIM
         == jnp.arange(ATOM_DIM, dtype=jnp.int32)[None, :]).astype(jnp.float32)
    eye4 = jnp.eye(4, dtype=jnp.float32)
    wbig = jnp.kron(eye4, wt2)
    rbig = jnp.kron(eye4, r)
    fbig = jnp.kron(eye4, f)
    bbig = jnp.kron(eye4, b2t)
    bond4 = bond_features.reshape(4, QUARTER, BOND_DIM)
    bond4 = bond4.transpose(1, 0, 2).reshape(QUARTER, 4 * BOND_DIM)
    zeros_block = jnp.zeros((ZERO_ROWS, HALF), jnp.float32)

    nbr4 = _sc_gather(atom_features, cols_flat)
    t4 = _tc_transform(bond4, nbr4, wbig, rbig, fbig, bbig)
    return _sc_scatter(cols_flat, t4, zeros_block)

# --- scband reference (transcript-rebuilt; emitter-appended) ---
"""Pipeline reference for scband-edge-network-13116830122450 (READ-ONLY COPY).

The authoritative reference and input builder live on the scoring server;
editing this copy changes nothing except your own understanding.
"""

import jax, jax.numpy as jnp
import numpy as np

N_NODES = 50000
N_EDGES = 100000
ATOM_DIM = 32
BOND_DIM = 16


def setup_inputs(seed: int = 0) -> dict:
    key = jax.random.key(seed)
    k1, k2, k3, k4, k5 = jax.random.split(key, 5)
    atom_features = jax.random.normal(k1, (N_NODES, ATOM_DIM), dtype=jnp.float32)
    bond_features = jax.random.normal(k2, (N_EDGES, BOND_DIM), dtype=jnp.float32)
    # column 0 (destination/aggregation node) must be sorted for tf.math.segment_sum semantics
    src = jnp.sort(jax.random.randint(k3, (N_EDGES,), 0, N_NODES, dtype=jnp.int32))
    nbr = jax.random.randint(k4, (N_EDGES,), 0, N_NODES, dtype=jnp.int32)
    pair_indices = jnp.stack([src, nbr], axis=1)
    # glorot_uniform init for kernel, zeros for bias
    fan_in, fan_out = BOND_DIM, ATOM_DIM * ATOM_DIM
    limit = float(np.sqrt(6.0 / (fan_in + fan_out)))
    kernel = jax.random.uniform(k5, (BOND_DIM, ATOM_DIM * ATOM_DIM), minval=-limit, maxval=limit, dtype=jnp.float32)
    bias = jnp.zeros((ATOM_DIM * ATOM_DIM,), dtype=jnp.float32)
    return {
        "atom_features": atom_features,
        "bond_features": bond_features,
        "pair_indices": pair_indices,
        "kernel": kernel,
        "bias": bias,
    }


def reference(atom_features, bond_features, pair_indices, kernel, bias):
    # bond_features -> per-edge (atom_dim x atom_dim) message matrix
    bf = jnp.matmul(bond_features, kernel) + bias
    bf = bf.reshape(-1, ATOM_DIM, ATOM_DIM)
    # gather neighbor atom features (pair_indices[:, 1])
    atom_features_neighbors = jnp.take(atom_features, pair_indices[:, 1], axis=0)
    atom_features_neighbors = atom_features_neighbors[:, :, None]
    # per-edge matvec
    transformed = jnp.matmul(bf, atom_features_neighbors)
    transformed = jnp.squeeze(transformed, axis=-1)
    # segment-sum aggregation into destination nodes (pair_indices[:, 0])
    aggregated = jax.ops.segment_sum(transformed, pair_indices[:, 0], num_segments=N_NODES)
    return aggregated

if __name__ == "__main__":
    import jax
    _d = setup_inputs()
    print(jax.jit(kernel)(*tuple(_d.values())))

</pallas_src>

<mosaic_0001>
#map = affine_map<(d0, d1) -> (0, 0)>
#map1 = affine_map<(d0, d1) -> (0)>
module attributes {stable_mosaic.version = 14 : i64} {
  func.func @_gather_body(%arg0: i32, %arg1: i32, %arg2: memref<50000x32xf32, #tpu.memory_space<hbm>>, %arg3: memref<200000xi32, #tpu.memory_space<hbm>>, %arg4: memref<25000x128xf32, #tpu.memory_space<hbm>>, %arg5: memref<3128xi32, #tpu.memory_space<vmem>>, %arg6: memref<3128x32xf32, #tpu.memory_space<vmem>>, %arg7: memref<!tpu.dma_semaphore, #tpu.memory_space<semaphore_mem>>) attributes {dimension_semantics = [#tpu.dimension_semantics<core_parallel>, #tpu.dimension_semantics<subcore_parallel>], iteration_bounds = array<i64: 2, 16>, scalar_prefetch = 0 : i64, scratch_operands = 3 : i64, tpu.core_type = #tpu.core_type<sc_vector_subcore>, window_params = [{transform_indices = #map}, {transform_indices = #map1}, {transform_indices = #map}]} {
    %mul3A = arith.constant 2 : i32
    %mul3A_0 = arith.muli %arg1, %mul3A : i32
    %add3A = arith.addi %mul3A_0, %arg0 : i32
    %jit3A = arith.constant 8 : i32
    %div3A = arith.divsi %add3A, %jit3A : i32
    %sign3A = arith.constant 0 : i32
    %sign3A_1 = arith.cmpi sgt, %add3A, %sign3A : i32
    %sign3A_2 = arith.extui %sign3A_1 : i1 to i32
    %sign3A_3 = arith.constant 0 : i32
    %sign3A_4 = arith.cmpi slt, %add3A, %sign3A_3 : i32
    %sign3A_5 = arith.extui %sign3A_4 : i1 to i32
    %sign3A_6 = arith.subi %sign3A_2, %sign3A_5 : i32
    %sign3A_7 = arith.constant 0 : i32
    %sign3A_8 = arith.cmpi sgt, %jit3A, %sign3A_7 : i32
    %sign3A_9 = arith.extui %sign3A_8 : i1 to i32
    %sign3A_10 = arith.constant 0 : i32
    %sign3A_11 = arith.cmpi slt, %jit3A, %sign3A_10 : i32
    %sign3A_12 = arith.extui %sign3A_11 : i1 to i32
    %sign3A_13 = arith.subi %sign3A_9, %sign3A_12 : i32
    %ne3A = arith.cmpi ne, %sign3A_6, %sign3A_13 : i32
    %rem3A = arith.remsi %add3A, %jit3A : i32
    %ne3A_14 = arith.constant 0 : i32
    %ne3A_15 = arith.cmpi ne, %rem3A, %ne3A_14 : i32
    %and3A = arith.andi %ne3A, %ne3A_15 : i1
    %sub3A = arith.constant 1 : i32
    %sub3A_16 = arith.subi %div3A, %sub3A : i32
    %select_n3A = arith.select %and3A, %sub3A_16, %div3A : i32
    %jit3A_17 = arith.constant 8 : i32
    %eq3A = arith.constant 0 : i32
    %eq3A_18 = arith.cmpi eq, %jit3A_17, %eq3A : i32
    %jit3A_19 = arith.constant 1 : i32
    %select_n3A_20 = arith.select %eq3A_18, %jit3A_19, %jit3A_17 : i32
    %rem3A_21 = arith.remsi %add3A, %select_n3A_20 : i32
    %ne3A_22 = arith.constant 0 : i32
    %ne3A_23 = arith.cmpi ne, %rem3A_21, %ne3A_22 : i32
    %lt3A = arith.constant 0 : i32
    %lt3A_24 = arith.cmpi slt, %rem3A_21, %lt3A : i32
    %lt3A_25 = arith.constant 0 : i32
    %lt3A_26 = arith.cmpi slt, %select_n3A_20, %lt3A_25 : i32
    %ne3A_27 = arith.xori %lt3A_24, %lt3A_26 : i1
    %and3A_28 = arith.andi %ne3A_27, %ne3A_23 : i1
    %add3A_29 = arith.addi %rem3A_21, %select_n3A_20 : i32
    %select_n3A_30 = arith.select %and3A_28, %add3A_29, %rem3A_21 : i32
    %mul3A_31 = arith.constant 25000 : i32
    %mul3A_32 = arith.muli %select_n3A, %mul3A_31 : i32
    %mul3A_33 = arith.constant 3128 : i32
    %mul3A_34 = arith.muli %select_n3A_30, %mul3A_33 : i32
    %add3A_35 = arith.addi %mul3A_32, %mul3A_34 : i32
    %mul3A_36 = arith.constant 3128 : i32
    %mul3A_37 = arith.muli %select_n3A_30, %mul3A_36 : i32
    %lt3A_38 = arith.constant 7 : i32
    %lt3A_39 = arith.cmpi slt, %select_n3A_30, %lt3A_38 : i32
    %convert_element_type3A = arith.extui %lt3A_39 : i1 to i32
    %cond3A = arith.constant 0 : i32
    %cond3A_40 = arith.cmpi ne, %convert_element_type3A, %cond3A : i32
    scf.if %cond3A_40 {
      %add3A_46 = arith.constant 100000 : i32
      %add3A_47 = arith.addi %add3A_46, %add3A_35 : i32
      "tpu.region"() ({
        %run_scoped3A = tpu.sem_alloc : memref<!tpu.dma_semaphore, #tpu.memory_space<semaphore_mem>>
        %dma_start3A_64 = arith.constant 0 : i32
        %dma_start3A_65 = tpu.memref_slice %arg5[%dma_start3A_64] : memref<3128xi32, #tpu.memory_space<vmem>> -> memref<3128xi32, #tpu.memory_space<vmem>>
        %dma_start3A_66 = tpu.memref_slice %arg3[%add3A_47] : memref<200000xi32, #tpu.memory_space<hbm>> -> memref<3128xi32, #tpu.memory_space<hbm>>
        %dma_start3A_67 = arith.constant 0 : i32
        %dma_start3A_68 = tpu.memref_slice %arg5[%dma_start3A_67] : memref<3128xi32, #tpu.memory_space<vmem>> -> memref<3128xi32, #tpu.memory_space<vmem>>
        %dma_start3A_69 = tpu.memref_slice %arg3[%add3A_47] : memref<200000xi32, #tpu.memory_space<hbm>> -> memref<3128xi32, #tpu.memory_space<hbm>>
        tpu.enqueue_dma source(%dma_start3A_69 : memref<3128xi32, #tpu.memory_space<hbm>>) target(%dma_start3A_68 : memref<3128xi32, #tpu.memory_space<vmem>>) target_semaphore(%run_scoped3A : memref<!tpu.dma_semaphore, #tpu.memory_space<semaphore_mem>>)
        %dma_wait3A_70 = arith.constant 0 : i32
        %dma_wait3A_71 = tpu.memref_slice %arg5[%dma_wait3A_70] : memref<3128xi32, #tpu.memory_space<vmem>> -> memref<3128xi32, #tpu.memory_space<vmem>>
        %dma_wait3A_72 = tpu.memref_slice %arg3[%add3A_47] : memref<200000xi32, #tpu.memory_space<hbm>> -> memref<3128xi32, #tpu.memory_space<hbm>>
        %dma_wait3A_73 = arith.constant 0 : i32
        %dma_wait3A_74 = tpu.memref_slice %arg5[%dma_wait3A_73] : memref<3128xi32, #tpu.memory_space<vmem>> -> memref<3128xi32, #tpu.memory_space<vmem>>
        %dma_wait3A_75 = tpu.memref_slice %arg3[%add3A_47] : memref<200000xi32, #tpu.memory_space<hbm>> -> memref<3128xi32, #tpu.memory_space<hbm>>
        tpu.wait_dma2 semaphore(%run_scoped3A : memref<!tpu.dma_semaphore, #tpu.memory_space<semaphore_mem>>) src(%dma_wait3A_75 : memref<3128xi32, #tpu.memory_space<hbm>>) dst(%dma_wait3A_74 : memref<3128xi32, #tpu.memory_space<vmem>>)
        tpu.yield
      }) : () -> ()
      %dma_start3A = arith.constant 0 : i32
      %dma_start3A_48 = arith.constant 0 : i32
      %dma_start3A_49 = tpu.memref_slice %arg6[%dma_start3A, %dma_start3A_48] : memref<3128x32xf32, #tpu.memory_space<vmem>> -> memref<3128x32xf32, #tpu.memory_space<vmem>>
      %dma_start3A_50 = arith.constant 0 : i32
      %dma_start3A_51 = tpu.memref_slice %arg5[%dma_start3A_50] : memref<3128xi32, #tpu.memory_space<vmem>> -> memref<3128xi32, #tpu.memory_space<vmem>>
      %dma_start3A_52 = arith.constant 0 : i32
      %dma_start3A_53 = arith.constant 0 : i32
      %dma_start3A_54 = tpu.memref_slice %arg2[%dma_start3A_52, %dma_start3A_53] : memref<50000x32xf32, #tpu.memory_space<hbm>> -> memref<50000x32xf32, #tpu.memory_space<hbm>>
      tpu.enqueue_indirect_dma source(%dma_start3A_54 : memref<50000x32xf32, #tpu.memory_space<hbm>>) target(%dma_start3A_49 : memref<3128x32xf32, #tpu.memory_space<vmem>>) offsets(%dma_start3A_51 : memref<3128xi32, #tpu.memory_space<vmem>>) semaphore(%arg7 : memref<!tpu.dma_semaphore, #tpu.memory_space<semaphore_mem>>)
      %dma_wait3A = arith.constant 0 : i32
      %dma_wait3A_55 = arith.constant 0 : i32
      %dma_wait3A_56 = tpu.memref_slice %arg6[%dma_wait3A, %dma_wait3A_55] : memref<3128x32xf32, #tpu.memory_space<vmem>> -> memref<3128x32xf32, #tpu.memory_space<vmem>>
      %dma_wait3A_57 = arith.constant 0 : i32
      %dma_wait3A_58 = tpu.memref_slice %arg5[%dma_wait3A_57] : memref<3128xi32, #tpu.memory_space<vmem>> -> memref<3128xi32, #tpu.memory_space<vmem>>
      %dma_wait3A_59 = arith.constant 0 : i32
      %dma_wait3A_60 = arith.constant 0 : i32
      %dma_wait3A_61 = tpu.memref_slice %arg2[%dma_wait3A_59, %dma_wait3A_60] : memref<50000x32xf32, #tpu.memory_space<hbm>> -> memref<50000x32xf32, #tpu.memory_space<hbm>>
      tpu.wait_indirect_dma semaphore(%arg7 : memref<!tpu.dma_semaphore, #tpu.memory_space<semaphore_mem>>) src(%dma_wait3A_61 : memref<50000x32xf32, #tpu.memory_space<hbm>>) dst(%dma_wait3A_56 : memref<3128x32xf32, #tpu.memory_space<vmem>>)
      %mul3A_62 = arith.constant 32 : i32
      %mul3A_63 = arith.muli %select_n3A, %mul3A_62 : i32
      "tpu.region"() ({
        %run_scoped3A = tpu.sem_alloc : memref<!tpu.dma_semaphore, #tpu.memory_space<semaphore_mem>>
        %dma_start3A_64 = arith.constant 0 : i32
        %dma_start3A_65 = arith.constant 0 : i32
        %dma_start3A_66 = tpu.memref_slice %arg6[%dma_start3A_64, %dma_start3A_65] : memref<3128x32xf32, #tpu.memory_space<vmem>> -> memref<3128x32xf32, #tpu.memory_space<vmem>>
        %dma_start3A_67 = tpu.memref_slice %arg4[%mul3A_37, %mul3A_63] : memref<25000x128xf32, #tpu.memory_space<hbm>> -> memref<3128x32xf32, #tpu.memory_space<hbm>>
        %dma_start3A_68 = tpu.memref_slice %arg4[%mul3A_37, %mul3A_63] : memref<25000x128xf32, #tpu.memory_space<hbm>> -> memref<3128x32xf32, #tpu.memory_space<hbm>>
        %dma_start3A_69 = arith.constant 0 : i32
        %dma_start3A_70 = arith.constant 0 : i32
        %dma_start3A_71 = tpu.memref_slice %arg6[%dma_start3A_69, %dma_start3A_70] : memref<3128x32xf32, #tpu.memory_space<vmem>> -> memref<3128x32xf32, #tpu.memory_space<vmem>>
        tpu.enqueue_dma source(%dma_start3A_71 : memref<3128x32xf32, #tpu.memory_space<vmem>>) target(%dma_start3A_68 : memref<3128x32xf32, #tpu.memory_space<hbm>>) target_semaphore(%run_scoped3A : memref<!tpu.dma_semaphore, #tpu.memory_space<semaphore_mem>>)
        %dma_wait3A_72 = arith.constant 0 : i32
        %dma_wait3A_73 = arith.constant 0 : i32
        %dma_wait3A_74 = tpu.memref_slice %arg6[%dma_wait3A_72, %dma_wait3A_73] : memref<3128x32xf32, #tpu.memory_space<vmem>> -> memref<3128x32xf32, #tpu.memory_space<vmem>>
        %dma_wait3A_75 = tpu.memref_slice %arg4[%mul3A_37, %mul3A_63] : memref<25000x128xf32, #tpu.memory_space<hbm>> -> memref<3128x32xf32, #tpu.memory_space<hbm>>
        %dma_wait3A_76 = tpu.memref_slice %arg4[%mul3A_37, %mul3A_63] : memref<25000x128xf32, #tpu.memory_space<hbm>> -> memref<3128x32xf32, #tpu.memory_space<hbm>>
        %dma_wait3A_77 = arith.constant 0 : i32
        %dma_wait3A_78 = arith.constant 0 : i32
        %dma_wait3A_79 = tpu.memref_slice %arg6[%dma_wait3A_77, %dma_wait3A_78] : memref<3128x32xf32, #tpu.memory_space<vmem>> -> memref<3128x32xf32, #tpu.memory_space<vmem>>
        tpu.wait_dma2 semaphore(%run_scoped3A : memref<!tpu.dma_semaphore, #tpu.memory_space<semaphore_mem>>) src(%dma_wait3A_79 : memref<3128x32xf32, #tpu.memory_space<vmem>>) dst(%dma_wait3A_76 : memref<3128x32xf32, #tpu.memory_space<hbm>>)
        tpu.yield
      }) : () -> ()
    } else {
    }
    %eq3A_41 = arith.constant 7 : i32
    %eq3A_42 = arith.cmpi eq, %select_n3A_30, %eq3A_41 : i32
    %convert_element_type3A_43 = arith.extui %eq3A_42 : i1 to i32
    %cond3A_44 = arith.constant 0 : i32
    %cond3A_45 = arith.cmpi ne, %convert_element_type3A_43, %cond3A_44 : i32
    scf.if %cond3A_45 {
      %add3A_46 = arith.constant 100000 : i32
      %add3A_47 = arith.addi %add3A_46, %add3A_35 : i32
      "tpu.region"() ({
        %run_scoped3A = tpu.sem_alloc : memref<!tpu.dma_semaphore, #tpu.memory_space<semaphore_mem>>
        %dma_start3A_64 = arith.constant 0 : i32
        %dma_start3A_65 = tpu.memref_slice %arg5[%dma_start3A_64] : memref<3128xi32, #tpu.memory_space<vmem>> -> memref<3104xi32, #tpu.memory_space<vmem>>
        %dma_start3A_66 = tpu.memref_slice %arg3[%add3A_47] : memref<200000xi32, #tpu.memory_space<hbm>> -> memref<3104xi32, #tpu.memory_space<hbm>>
        %dma_start3A_67 = arith.constant 0 : i32
        %dma_start3A_68 = tpu.memref_slice %arg5[%dma_start3A_67] : memref<3128xi32, #tpu.memory_space<vmem>> -> memref<3104xi32, #tpu.memory_space<vmem>>
        %dma_start3A_69 = tpu.memref_slice %arg3[%add3A_47] : memref<200000xi32, #tpu.memory_space<hbm>> -> memref<3104xi32, #tpu.memory_space<hbm>>
        tpu.enqueue_dma source(%dma_start3A_69 : memref<3104xi32, #tpu.memory_space<hbm>>) target(%dma_start3A_68 : memref<3104xi32, #tpu.memory_space<vmem>>) target_semaphore(%run_scoped3A : memref<!tpu.dma_semaphore, #tpu.memory_space<semaphore_mem>>)
        %dma_wait3A_70 = arith.constant 0 : i32
        %dma_wait3A_71 = tpu.memref_slice %arg5[%dma_wait3A_70] : memref<3128xi32, #tpu.memory_space<vmem>> -> memref<3104xi32, #tpu.memory_space<vmem>>
        %dma_wait3A_72 = tpu.memref_slice %arg3[%add3A_47] : memref<200000xi32, #tpu.memory_space<hbm>> -> memref<3104xi32, #tpu.memory_space<hbm>>
        %dma_wait3A_73 = arith.constant 0 : i32
        %dma_wait3A_74 = tpu.memref_slice %arg5[%dma_wait3A_73] : memref<3128xi32, #tpu.memory_space<vmem>> -> memref<3104xi32, #tpu.memory_space<vmem>>
        %dma_wait3A_75 = tpu.memref_slice %arg3[%add3A_47] : memref<200000xi32, #tpu.memory_space<hbm>> -> memref<3104xi32, #tpu.memory_space<hbm>>
        tpu.wait_dma2 semaphore(%run_scoped3A : memref<!tpu.dma_semaphore, #tpu.memory_space<semaphore_mem>>) src(%dma_wait3A_75 : memref<3104xi32, #tpu.memory_space<hbm>>) dst(%dma_wait3A_74 : memref<3104xi32, #tpu.memory_space<vmem>>)
        tpu.yield
      }) : () -> ()
      %dma_start3A = arith.constant 0 : i32
      %dma_start3A_48 = arith.constant 0 : i32
      %dma_start3A_49 = tpu.memref_slice %arg6[%dma_start3A, %dma_start3A_48] : memref<3128x32xf32, #tpu.memory_space<vmem>> -> memref<3104x32xf32, #tpu.memory_space<vmem>>
      %dma_start3A_50 = arith.constant 0 : i32
      %dma_start3A_51 = tpu.memref_slice %arg5[%dma_start3A_50] : memref<3128xi32, #tpu.memory_space<vmem>> -> memref<3104xi32, #tpu.memory_space<vmem>>
      %dma_start3A_52 = arith.constant 0 : i32
      %dma_start3A_53 = arith.constant 0 : i32
      %dma_start3A_54 = tpu.memref_slice %arg2[%dma_start3A_52, %dma_start3A_53] : memref<50000x32xf32, #tpu.memory_space<hbm>> -> memref<50000x32xf32, #tpu.memory_space<hbm>>
      tpu.enqueue_indirect_dma source(%dma_start3A_54 : memref<50000x32xf32, #tpu.memory_space<hbm>>) target(%dma_start3A_49 : memref<3104x32xf32, #tpu.memory_space<vmem>>) offsets(%dma_start3A_51 : memref<3104xi32, #tpu.memory_space<vmem>>) semaphore(%arg7 : memref<!tpu.dma_semaphore, #tpu.memory_space<semaphore_mem>>)
      %dma_wait3A = arith.constant 0 : i32
      %dma_wait3A_55 = arith.constant 0 : i32
      %dma_wait3A_56 = tpu.memref_slice %arg6[%dma_wait3A, %dma_wait3A_55] : memref<3128x32xf32, #tpu.memory_space<vmem>> -> memref<3104x32xf32, #tpu.memory_space<vmem>>
      %dma_wait3A_57 = arith.constant 0 : i32
      %dma_wait3A_58 = tpu.memref_slice %arg5[%dma_wait3A_57] : memref<3128xi32, #tpu.memory_space<vmem>> -> memref<3104xi32, #tpu.memory_space<vmem>>
      %dma_wait3A_59 = arith.constant 0 : i32
      %dma_wait3A_60 = arith.constant 0 : i32
      %dma_wait3A_61 = tpu.memref_slice %arg2[%dma_wait3A_59, %dma_wait3A_60] : memref<50000x32xf32, #tpu.memory_space<hbm>> -> memref<50000x32xf32, #tpu.memory_space<hbm>>
      tpu.wait_indirect_dma semaphore(%arg7 : memref<!tpu.dma_semaphore, #tpu.memory_space<semaphore_mem>>) src(%dma_wait3A_61 : memref<50000x32xf32, #tpu.memory_space<hbm>>) dst(%dma_wait3A_56 : memref<3104x32xf32, #tpu.memory_space<vmem>>)
      %mul3A_62 = arith.constant 32 : i32
      %mul3A_63 = arith.muli %select_n3A, %mul3A_62 : i32
      "tpu.region"() ({
        %run_scoped3A = tpu.sem_alloc : memref<!tpu.dma_semaphore, #tpu.memory_space<semaphore_mem>>
        %dma_start3A_64 = arith.constant 0 : i32
        %dma_start3A_65 = arith.constant 0 : i32
        %dma_start3A_66 = tpu.memref_slice %arg6[%dma_start3A_64, %dma_start3A_65] : memref<3128x32xf32, #tpu.memory_space<vmem>> -> memref<3104x32xf32, #tpu.memory_space<vmem>>
        %dma_start3A_67 = tpu.memref_slice %arg4[%mul3A_37, %mul3A_63] : memref<25000x128xf32, #tpu.memory_space<hbm>> -> memref<3104x32xf32, #tpu.memory_space<hbm>>
        %dma_start3A_68 = tpu.memref_slice %arg4[%mul3A_37, %mul3A_63] : memref<25000x128xf32, #tpu.memory_space<hbm>> -> memref<3104x32xf32, #tpu.memory_space<hbm>>
        %dma_start3A_69 = arith.constant 0 : i32
        %dma_start3A_70 = arith.constant 0 : i32
        %dma_start3A_71 = tpu.memref_slice %arg6[%dma_start3A_69, %dma_start3A_70] : memref<3128x32xf32, #tpu.memory_space<vmem>> -> memref<3104x32xf32, #tpu.memory_space<vmem>>
        tpu.enqueue_dma source(%dma_start3A_71 : memref<3104x32xf32, #tpu.memory_space<vmem>>) target(%dma_start3A_68 : memref<3104x32xf32, #tpu.memory_space<hbm>>) target_semaphore(%run_scoped3A : memref<!tpu.dma_semaphore, #tpu.memory_space<semaphore_mem>>)
        %dma_wait3A_72 = arith.constant 0 : i32
        %dma_wait3A_73 = arith.constant 0 : i32
        %dma_wait3A_74 = tpu.memref_slice %arg6[%dma_wait3A_72, %dma_wait3A_73] : memref<3128x32xf32, #tpu.memory_space<vmem>> -> memref<3104x32xf32, #tpu.memory_space<vmem>>
        %dma_wait3A_75 = tpu.memref_slice %arg4[%mul3A_37, %mul3A_63] : memref<25000x128xf32, #tpu.memory_space<hbm>> -> memref<3104x32xf32, #tpu.memory_space<hbm>>
        %dma_wait3A_76 = tpu.memref_slice %arg4[%mul3A_37, %mul3A_63] : memref<25000x128xf32, #tpu.memory_space<hbm>> -> memref<3104x32xf32, #tpu.memory_space<hbm>>
        %dma_wait3A_77 = arith.constant 0 : i32
        %dma_wait3A_78 = arith.constant 0 : i32
        %dma_wait3A_79 = tpu.memref_slice %arg6[%dma_wait3A_77, %dma_wait3A_78] : memref<3128x32xf32, #tpu.memory_space<vmem>> -> memref<3104x32xf32, #tpu.memory_space<vmem>>
        tpu.wait_dma2 semaphore(%run_scoped3A : memref<!tpu.dma_semaphore, #tpu.memory_space<semaphore_mem>>) src(%dma_wait3A_79 : memref<3104x32xf32, #tpu.memory_space<vmem>>) dst(%dma_wait3A_76 : memref<3104x32xf32, #tpu.memory_space<hbm>>)
        tpu.yield
      }) : () -> ()
    } else {
    }
    return
  }
}

#map = affine_map<(d0, d1) -> (0)>
#map1 = affine_map<(d0, d1) -> (0, 0)>
module attributes {stable_mosaic.version = 14 : i64} {
  func.func @_scatter_body(%arg0: i32, %arg1: i32, %arg2: memref<200000xi32, #tpu.memory_space<hbm>>, %arg3: memref<25000x128xf32, #tpu.memory_space<hbm>>, %arg4: memref<3128x16xf32, #tpu.memory_space<hbm>>, %arg5: memref<50000x32xf32, #tpu.memory_space<hbm>>, %arg6: memref<50048x16xf32, #tpu.memory_space<vmem_shared>>, %arg7: memref<1568xi32, #tpu.memory_space<vmem>>, %arg8: memref<1568xi32, #tpu.memory_space<vmem>>, %arg9: memref<1568x16xf32, #tpu.memory_space<vmem>>, %arg10: memref<1568x16xf32, #tpu.memory_space<vmem>>, %arg11: memref<!tpu.dma_semaphore, #tpu.memory_space<semaphore_mem>>, %arg12: memref<!tpu.dma_semaphore, #tpu.memory_space<semaphore_mem>>, %arg13: memref<!tpu.dma_semaphore, #tpu.memory_space<semaphore_mem>>, %arg14: memref<!tpu.dma_semaphore, #tpu.memory_space<semaphore_mem>>) attributes {dimension_semantics = [#tpu.dimension_semantics<core_parallel>, #tpu.dimension_semantics<subcore_parallel>], iteration_bounds = array<i64: 2, 16>, scalar_prefetch = 0 : i64, scratch_operands = 9 : i64, tpu.core_type = #tpu.core_type<sc_vector_subcore>, window_params = [{transform_indices = #map}, {transform_indices = #map1}, {transform_indices = #map1}, {transform_indices = #map1}]} {
    %jit3A = arith.constant 8 : i32
    %eq3A = arith.constant 0 : i32
    %eq3A_0 = arith.cmpi eq, %jit3A, %eq3A : i32
    %jit3A_1 = arith.constant 1 : i32
    %select_n3A = arith.select %eq3A_0, %jit3A_1, %jit3A : i32
    %rem3A = arith.remsi %arg1, %select_n3A : i32
    %ne3A = arith.constant 0 : i32
    %ne3A_2 = arith.cmpi ne, %rem3A, %ne3A : i32
    %lt3A = arith.constant 0 : i32
    %lt3A_3 = arith.cmpi slt, %rem3A, %lt3A : i32
    %lt3A_4 = arith.constant 0 : i32
    %lt3A_5 = arith.cmpi slt, %select_n3A, %lt3A_4 : i32
    %ne3A_6 = arith.xori %lt3A_3, %lt3A_5 : i1
    %and3A = arith.andi %ne3A_6, %ne3A_2 : i1
    %add3A = arith.addi %rem3A, %select_n3A : i32
    %select_n3A_7 = arith.select %and3A, %add3A, %rem3A : i32
    %mul3A = arith.constant 16 : i32
    %mul3A_8 = arith.muli %arg0, %mul3A : i32
    %lt3A_9 = arith.constant 7 : i32
    %lt3A_10 = arith.cmpi slt, %select_n3A_7, %lt3A_9 : i32
    %convert_element_type3A = arith.extui %lt3A_10 : i1 to i32
    %cond3A = arith.constant 0 : i32
    %cond3A_11 = arith.cmpi ne, %convert_element_type3A, %cond3A : i32
    scf.if %cond3A_11 {
      %add3A_21 = arith.constant 0 : i32
      %add3A_22 = arith.addi %arg1, %add3A_21 : i32
      %jit3A_23 = arith.constant 8 : i32
      %div3A = arith.divsi %add3A_22, %jit3A_23 : i32
      %sign3A = arith.constant 0 : i32
      %sign3A_24 = arith.cmpi sgt, %add3A_22, %sign3A : i32
      %sign3A_25 = arith.extui %sign3A_24 : i1 to i32
      %sign3A_26 = arith.constant 0 : i32
      %sign3A_27 = arith.cmpi slt, %add3A_22, %sign3A_26 : i32
      %sign3A_28 = arith.extui %sign3A_27 : i1 to i32
      %sign3A_29 = arith.subi %sign3A_25, %sign3A_28 : i32
      %sign3A_30 = arith.constant 0 : i32
      %sign3A_31 = arith.cmpi sgt, %jit3A_23, %sign3A_30 : i32
      %sign3A_32 = arith.extui %sign3A_31 : i1 to i32
      %sign3A_33 = arith.constant 0 : i32
      %sign3A_34 = arith.cmpi slt, %jit3A_23, %sign3A_33 : i32
      %sign3A_35 = arith.extui %sign3A_34 : i1 to i32
      %sign3A_36 = arith.subi %sign3A_32, %sign3A_35 : i32
      %ne3A_37 = arith.cmpi ne, %sign3A_29, %sign3A_36 : i32
      %rem3A_38 = arith.remsi %add3A_22, %jit3A_23 : i32
      %ne3A_39 = arith.constant 0 : i32
      %ne3A_40 = arith.cmpi ne, %rem3A_38, %ne3A_39 : i32
      %and3A_41 = arith.andi %ne3A_37, %ne3A_40 : i1
      %sub3A = arith.constant 1 : i32
      %sub3A_42 = arith.subi %div3A, %sub3A : i32
      %select_n3A_43 = arith.select %and3A_41, %sub3A_42, %div3A : i32
      %mul3A_44 = arith.constant 25000 : i32
      %mul3A_45 = arith.muli %select_n3A_43, %mul3A_44 : i32
      %mul3A_46 = arith.constant 3128 : i32
      %mul3A_47 = arith.muli %select_n3A_7, %mul3A_46 : i32
      %add3A_48 = arith.addi %mul3A_45, %mul3A_47 : i32
      %mul3A_49 = arith.constant 3128 : i32
      %mul3A_50 = arith.muli %select_n3A_7, %mul3A_49 : i32
      %mul3A_51 = arith.constant 32 : i32
      %mul3A_52 = arith.muli %select_n3A_43, %mul3A_51 : i32
      %add3A_53 = arith.addi %mul3A_52, %mul3A_8 : i32
      %add3A_54 = arith.constant 1568 : i32
      %add3A_55 = arith.addi %add3A_48, %add3A_54 : i32
      %add3A_56 = arith.constant 1568 : i32
      %add3A_57 = arith.addi %mul3A_50, %add3A_56 : i32
      %add3A_58 = arith.constant 16 : i32
      %add3A_59 = arith.addi %arg1, %add3A_58 : i32
      %jit3A_60 = arith.constant 8 : i32
      %div3A_61 = arith.divsi %add3A_59, %jit3A_60 : i32
      %sign3A_62 = arith.constant 0 : i32
      %sign3A_63 = arith.cmpi sgt, %add3A_59, %sign3A_62 : i32
      %sign3A_64 = arith.extui %sign3A_63 : i1 to i32
      %sign3A_65 = arith.constant 0 : i32
      %sign3A_66 = arith.cmpi slt, %add3A_59, %sign3A_65 : i32
      %sign3A_67 = arith.extui %sign3A_66 : i1 to i32
      %sign3A_68 = arith.subi %sign3A_64, %sign3A_67 : i32
      %sign3A_69 = arith.constant 0 : i32
      %sign3A_70 = arith.cmpi sgt, %jit3A_60, %sign3A_69 : i32
      %sign3A_71 = arith.extui %sign3A_70 : i1 to i32
      %sign3A_72 = arith.constant 0 : i32
      %sign3A_73 = arith.cmpi slt, %jit3A_60, %sign3A_72 : i32
      %sign3A_74 = arith.extui %sign3A_73 : i1 to i32
      %sign3A_75 = arith.subi %sign3A_71, %sign3A_74 : i32
      %ne3A_76 = arith.cmpi ne, %sign3A_68, %sign3A_75 : i32
      %rem3A_77 = arith.remsi %add3A_59, %jit3A_60 : i32
      %ne3A_78 = arith.constant 0 : i32
      %ne3A_79 = arith.cmpi ne, %rem3A_77, %ne3A_78 : i32
      %and3A_80 = arith.andi %ne3A_76, %ne3A_79 : i1
      %sub3A_81 = arith.constant 1 : i32
      %sub3A_82 = arith.subi %div3A_61, %sub3A_81 : i32
      %select_n3A_83 = arith.select %and3A_80, %sub3A_82, %div3A_61 : i32
      %mul3A_84 = arith.constant 25000 : i32
      %mul3A_85 = arith.muli %select_n3A_83, %mul3A_84 : i32
      %mul3A_86 = arith.constant 3128 : i32
      %mul3A_87 = arith.muli %select_n3A_7, %mul3A_86 : i32
      %add3A_88 = arith.addi %mul3A_85, %mul3A_87 : i32
      %mul3A_89 = arith.constant 3128 : i32
      %mul3A_90 = arith.muli %select_n3A_7, %mul3A_89 : i32
      %mul3A_91 = arith.constant 32 : i32
      %mul3A_92 = arith.muli %select_n3A_83, %mul3A_91 : i32
      %add3A_93 = arith.addi %mul3A_92, %mul3A_8 : i32
      %add3A_94 = arith.constant 1568 : i32
      %add3A_95 = arith.addi %add3A_88, %add3A_94 : i32
      %add3A_96 = arith.constant 1568 : i32
      %add3A_97 = arith.addi %mul3A_90, %add3A_96 : i32
      %dma_start3A = arith.constant 0 : i32
      %dma_start3A_98 = tpu.memref_slice %arg7[%dma_start3A] : memref<1568xi32, #tpu.memory_space<vmem>> -> memref<1568xi32, #tpu.memory_space<vmem>>
      %dma_start3A_99 = tpu.memref_slice %arg2[%add3A_48] : memref<200000xi32, #tpu.memory_space<hbm>> -> memref<1568xi32, #tpu.memory_space<hbm>>
      %dma_start3A_100 = arith.constant 0 : i32
      %dma_start3A_101 = tpu.memref_slice %arg7[%dma_start3A_100] : memref<1568xi32, #tpu.memory_space<vmem>> -> memref<1568xi32, #tpu.memory_space<vmem>>
      %dma_start3A_102 = tpu.memref_slice %arg2[%add3A_48] : memref<200000xi32, #tpu.memory_space<hbm>> -> memref<1568xi32, #tpu.memory_space<hbm>>
      tpu.enqueue_dma source(%dma_start3A_102 : memref<1568xi32, #tpu.memory_space<hbm>>) target(%dma_start3A_101 : memref<1568xi32, #tpu.memory_space<vmem>>) target_semaphore(%arg11 : memref<!tpu.dma_semaphore, #tpu.memory_space<semaphore_mem>>)
      %dma_start3A_103 = arith.constant 0 : i32
      %dma_start3A_104 = arith.constant 0 : i32
      %dma_start3A_105 = tpu.memref_slice %arg9[%dma_start3A_103, %dma_start3A_104] : memref<1568x16xf32, #tpu.memory_space<vmem>> -> memref<1568x16xf32, #tpu.memory_space<vmem>>
      %dma_start3A_106 = tpu.memref_slice %arg3[%mul3A_50, %add3A_53] : memref<25000x128xf32, #tpu.memory_space<hbm>> -> memref<1568x16xf32, #tpu.memory_space<hbm>>
      %dma_start3A_107 = arith.constant 0 : i32
      %dma_start3A_108 = arith.constant 0 : i32
      %dma_start3A_109 = tpu.memref_slice %arg9[%dma_start3A_107, %dma_start3A_108] : memref<1568x16xf32, #tpu.memory_space<vmem>> -> memref<1568x16xf32, #tpu.memory_space<vmem>>
      %dma_start3A_110 = tpu.memref_slice %arg3[%mul3A_50, %add3A_53] : memref<25000x128xf32, #tpu.memory_space<hbm>> -> memref<1568x16xf32, #tpu.memory_space<hbm>>
      tpu.enqueue_dma source(%dma_start3A_110 : memref<1568x16xf32, #tpu.memory_space<hbm>>) target(%dma_start3A_109 : memref<1568x16xf32, #tpu.memory_space<vmem>>) target_semaphore(%arg13 : memref<!tpu.dma_semaphore, #tpu.memory_space<semaphore_mem>>)
      %mul3A_111 = arith.constant 3128 : i32
      %mul3A_112 = arith.muli %arg1, %mul3A_111 : i32
      "tpu.region"() ({
        %run_scoped3A = tpu.sem_alloc : memref<!tpu.dma_semaphore, #tpu.memory_space<semaphore_mem>>
        %dma_start3A_211 = arith.constant 0 : i32
        %dma_start3A_212 = tpu.memref_slice %arg6[%mul3A_112, %dma_start3A_211] : memref<50048x16xf32, #tpu.memory_space<vmem_shared>> -> memref<3128x16xf32, #tpu.memory_space<vmem_shared>>
        tpu.enqueue_dma source(%arg4 : memref<3128x16xf32, #tpu.memory_space<hbm>>) target(%dma_start3A_212 : memref<3128x16xf32, #tpu.memory_space<vmem_shared>>) target_semaphore(%run_scoped3A : memref<!tpu.dma_semaphore, #tpu.memory_space<semaphore_mem>>)
        %dma_wait3A_213 = arith.constant 0 : i32
        %dma_wait3A_214 = tpu.memref_slice %arg6[%mul3A_112, %dma_wait3A_213] : memref<50048x16xf32, #tpu.memory_space<vmem_shared>> -> memref<3128x16xf32, #tpu.memory_space<vmem_shared>>
        tpu.wait_dma2 semaphore(%run_scoped3A : memref<!tpu.dma_semaphore, #tpu.memory_space<semaphore_mem>>) src(%arg4 : memref<3128x16xf32, #tpu.memory_space<hbm>>) dst(%dma_wait3A_214 : memref<3128x16xf32, #tpu.memory_space<vmem_shared>>)
        tpu.yield
      }) : () -> ()
      %barrier3A_113 = arith.constant 0 : index
      tpu.barrier barrier_id(%barrier3A_113)
      %dma_start3A_114 = arith.constant 0 : i32
      %dma_start3A_115 = tpu.memref_slice %arg8[%dma_start3A_114] : memref<1568xi32, #tpu.memory_space<vmem>> -> memref<1560xi32, #tpu.memory_space<vmem>>
      %dma_start3A_116 = tpu.memref_slice %arg2[%add3A_55] : memref<200000xi32, #tpu.memory_space<hbm>> -> memref<1560xi32, #tpu.memory_space<hbm>>
      %dma_start3A_117 = arith.constant 0 : i32
      %dma_start3A_118 = tpu.memref_slice %arg8[%dma_start3A_117] : memref<1568xi32, #tpu.memory_space<vmem>> -> memref<1560xi32, #tpu.memory_space<vmem>>
      %dma_start3A_119 = tpu.memref_slice %arg2[%add3A_55] : memref<200000xi32, #tpu.memory_space<hbm>> -> memref<1560xi32, #tpu.memory_space<hbm>>
      tpu.enqueue_dma source(%dma_start3A_119 : memref<1560xi32, #tpu.memory_space<hbm>>) target(%dma_start3A_118 : memref<1560xi32, #tpu.memory_space<vmem>>) target_semaphore(%arg12 : memref<!tpu.dma_semaphore, #tpu.memory_space<semaphore_mem>>)
      %dma_start3A_120 = arith.constant 0 : i32
      %dma_start3A_121 = arith.constant 0 : i32
      %dma_start3A_122 = tpu.memref_slice %arg10[%dma_start3A_120, %dma_start3A_121] : memref<1568x16xf32, #tpu.memory_space<vmem>> -> memref<1560x16xf32, #tpu.memory_space<vmem>>
      %dma_start3A_123 = tpu.memref_slice %arg3[%add3A_57, %add3A_53] : memref<25000x128xf32, #tpu.memory_space<hbm>> -> memref<1560x16xf32, #tpu.memory_space<hbm>>
      %dma_start3A_124 = arith.constant 0 : i32
      %dma_start3A_125 = arith.constant 0 : i32
      %dma_start3A_126 = tpu.memref_slice %arg10[%dma_start3A_124, %dma_start3A_125] : memref<1568x16xf32, #tpu.memory_space<vmem>> -> memref<1560x16xf32, #tpu.memory_space<vmem>>
      %dma_start3A_127 = tpu.memref_slice %arg3[%add3A_57, %add3A_53] : memref<25000x128xf32, #tpu.memory_space<hbm>> -> memref<1560x16xf32, #tpu.memory_space<hbm>>
      tpu.enqueue_dma source(%dma_start3A_127 : memref<1560x16xf32, #tpu.memory_space<hbm>>) target(%dma_start3A_126 : memref<1560x16xf32, #tpu.memory_space<vmem>>) target_semaphore(%arg14 : memref<!tpu.dma_semaphore, #tpu.memory_space<semaphore_mem>>)
      %dma_wait3A = arith.constant 0 : i32
      %dma_wait3A_128 = tpu.memref_slice %arg7[%dma_wait3A] : memref<1568xi32, #tpu.memory_space<vmem>> -> memref<1568xi32, #tpu.memory_space<vmem>>
      %dma_wait3A_129 = tpu.memref_slice %arg2[%add3A_48] : memref<200000xi32, #tpu.memory_space<hbm>> -> memref<1568xi32, #tpu.memory_space<hbm>>
      %dma_wait3A_130 = arith.constant 0 : i32
      %dma_wait3A_131 = tpu.memref_slice %arg7[%dma_wait3A_130] : memref<1568xi32, #tpu.memory_space<vmem>> -> memref<1568xi32, #tpu.memory_space<vmem>>
      %dma_wait3A_132 = tpu.memref_slice %arg2[%add3A_48] : memref<200000xi32, #tpu.memory_space<hbm>> -> memref<1568xi32, #tpu.memory_space<hbm>>
      tpu.wait_dma2 semaphore(%arg11 : memref<!tpu.dma_semaphore, #tpu.memory_space<semaphore_mem>>) src(%dma_wait3A_132 : memref<1568xi32, #tpu.memory_space<hbm>>) dst(%dma_wait3A_131 : memref<1568xi32, #tpu.memory_space<vmem>>)
      %dma_wait3A_133 = arith.constant 0 : i32
      %dma_wait3A_134 = arith.constant 0 : i32
      %dma_wait3A_135 = tpu.memref_slice %arg9[%dma_wait3A_133, %dma_wait3A_134] : memref<1568x16xf32, #tpu.memory_space<vmem>> -> memref<1568x16xf32, #tpu.memory_space<vmem>>
      %dma_wait3A_136 = tpu.memref_slice %arg3[%mul3A_50, %add3A_53] : memref<25000x128xf32, #tpu.memory_space<hbm>> -> memref<1568x16xf32, #tpu.memory_space<hbm>>
      %dma_wait3A_137 = arith.constant 0 : i32
      %dma_wait3A_138 = arith.constant 0 : i32
      %dma_wait3A_139 = tpu.memref_slice %arg9[%dma_wait3A_137, %dma_wait3A_138] : memref<1568x16xf32, #tpu.memory_space<vmem>> -> memref<1568x16xf32, #tpu.memory_space<vmem>>
      %dma_wait3A_140 = tpu.memref_slice %arg3[%mul3A_50, %add3A_53] : memref<25000x128xf32, #tpu.memory_space<hbm>> -> memref<1568x16xf32, #tpu.memory_space<hbm>>
      tpu.wait_dma2 semaphore(%arg13 : memref<!tpu.dma_semaphore, #tpu.memory_space<semaphore_mem>>) src(%dma_wait3A_140 : memref<1568x16xf32, #tpu.memory_space<hbm>>) dst(%dma_wait3A_139 : memref<1568x16xf32, #tpu.memory_space<vmem>>)
      "tpu.region"() ({
        %run_scoped3A = tpu.sem_alloc : memref<!tpu.dma_semaphore, #tpu.memory_space<semaphore_mem>>
        %dma_start3A_211 = arith.constant 0 : i32
        %dma_start3A_212 = arith.constant 0 : i32
        %dma_start3A_213 = tpu.memref_slice %arg9[%dma_start3A_211, %dma_start3A_212] : memref<1568x16xf32, #tpu.memory_space<vmem>> -> memref<1568x16xf32, #tpu.memory_space<vmem>>
        %dma_start3A_214 = arith.constant 0 : i32
        %dma_start3A_215 = tpu.memref_slice %arg7[%dma_start3A_214] : memref<1568xi32, #tpu.memory_space<vmem>> -> memref<1568xi32, #tpu.memory_space<vmem>>
        %dma_start3A_216 = arith.constant 0 : i32
        %dma_start3A_217 = arith.constant 0 : i32
        %dma_start3A_218 = tpu.memref_slice %arg6[%dma_start3A_216, %dma_start3A_217] : memref<50048x16xf32, #tpu.memory_space<vmem_shared>> -> memref<50048x16xf32, #tpu.memory_space<vmem_shared>>
        tpu.enqueue_indirect_dma source(%dma_start3A_213 : memref<1568x16xf32, #tpu.memory_space<vmem>>) target(%dma_start3A_218 : memref<50048x16xf32, #tpu.memory_space<vmem_shared>>) offsets(%dma_start3A_215 : memref<1568xi32, #tpu.memory_space<vmem>>) semaphore(%run_scoped3A : memref<!tpu.dma_semaphore, #tpu.memory_space<semaphore_mem>>) {add = true}
        %dma_wait3A_219 = arith.constant 0 : i32
        %dma_wait3A_220 = arith.constant 0 : i32
        %dma_wait3A_221 = tpu.memref_slice %arg9[%dma_wait3A_219, %dma_wait3A_220] : memref<1568x16xf32, #tpu.memory_space<vmem>> -> memref<1568x16xf32, #tpu.memory_space<vmem>>
        %dma_wait3A_222 = arith.constant 0 : i32
        %dma_wait3A_223 = tpu.memref_slice %arg7[%dma_wait3A_222] : memref<1568xi32, #tpu.memory_space<vmem>> -> memref<1568xi32, #tpu.memory_space<vmem>>
        %dma_wait3A_224 = arith.constant 0 : i32
        %dma_wait3A_225 = arith.constant 0 : i32
        %dma_wait3A_226 = tpu.memref_slice %arg6[%dma_wait3A_224, %dma_wait3A_225] : memref<50048x16xf32, #tpu.memory_space<vmem_shared>> -> memref<50048x16xf32, #tpu.memory_space<vmem_shared>>
        tpu.wait_indirect_dma semaphore(%run_scoped3A : memref<!tpu.dma_semaphore, #tpu.memory_space<semaphore_mem>>) src(%dma_wait3A_221 : memref<1568x16xf32, #tpu.memory_space<vmem>>) dst(%dma_wait3A_226 : memref<50048x16xf32, #tpu.memory_space<vmem_shared>>)
        tpu.yield
      }) : () -> ()
      %dma_start3A_141 = arith.constant 0 : i32
      %dma_start3A_142 = tpu.memref_slice %arg7[%dma_start3A_141] : memref<1568xi32, #tpu.memory_space<vmem>> -> memref<1568xi32, #tpu.memory_space<vmem>>
      %dma_start3A_143 = tpu.memref_slice %arg2[%add3A_88] : memref<200000xi32, #tpu.memory_space<hbm>> -> memref<1568xi32, #tpu.memory_space<hbm>>
      %dma_start3A_144 = arith.constant 0 : i32
      %dma_start3A_145 = tpu.memref_slice %arg7[%dma_start3A_144] : memref<1568xi32, #tpu.memory_space<vmem>> -> memref<1568xi32, #tpu.memory_space<vmem>>
      %dma_start3A_146 = tpu.memref_slice %arg2[%add3A_88] : memref<200000xi32, #tpu.memory_space<hbm>> -> memref<1568xi32, #tpu.memory_space<hbm>>
      tpu.enqueue_dma source(%dma_start3A_146 : memref<1568xi32, #tpu.memory_space<hbm>>) target(%dma_start3A_145 : memref<1568xi32, #tpu.memory_space<vmem>>) target_semaphore(%arg11 : memref<!tpu.dma_semaphore, #tpu.memory_space<semaphore_mem>>)
      %dma_start3A_147 = arith.constant 0 : i32
      %dma_start3A_148 = arith.constant 0 : i32
      %dma_start3A_149 = tpu.memref_slice %arg9[%dma_start3A_147, %dma_start3A_148] : memref<1568x16xf32, #tpu.memory_space<vmem>> -> memref<1568x16xf32, #tpu.memory_space<vmem>>
      %dma_start3A_150 = tpu.memref_slice %arg3[%mul3A_90, %add3A_93] : memref<25000x128xf32, #tpu.memory_space<hbm>> -> memref<1568x16xf32, #tpu.memory_space<hbm>>
      %dma_start3A_151 = arith.constant 0 : i32
      %dma_start3A_152 = arith.constant 0 : i32
      %dma_start3A_153 = tpu.memref_slice %arg9[%dma_start3A_151, %dma_start3A_152] : memref<1568x16xf32, #tpu.memory_space<vmem>> -> memref<1568x16xf32, #tpu.memory_space<vmem>>
      %dma_start3A_154 = tpu.memref_slice %arg3[%mul3A_90, %add3A_93] : memref<25000x128xf32, #tpu.memory_space<hbm>> -> memref<1568x16xf32, #tpu.memory_space<hbm>>
      tpu.enqueue_dma source(%dma_start3A_154 : memref<1568x16xf32, #tpu.memory_space<hbm>>) target(%dma_start3A_153 : memref<1568x16xf32, #tpu.memory_space<vmem>>) target_semaphore(%arg13 : memref<!tpu.dma_semaphore, #tpu.memory_space<semaphore_mem>>)
      %dma_wait3A_155 = arith.constant 0 : i32
      %dma_wait3A_156 = tpu.memref_slice %arg8[%dma_wait3A_155] : memref<1568xi32, #tpu.memory_space<vmem>> -> memref<1560xi32, #tpu.memory_space<vmem>>
      %dma_wait3A_157 = tpu.memref_slice %arg2[%add3A_55] : memref<200000xi32, #tpu.memory_space<hbm>> -> memref<1560xi32, #tpu.memory_space<hbm>>
      %dma_wait3A_158 = arith.constant 0 : i32
      %dma_wait3A_159 = tpu.memref_slice %arg8[%dma_wait3A_158] : memref<1568xi32, #tpu.memory_space<vmem>> -> memref<1560xi32, #tpu.memory_space<vmem>>
      %dma_wait3A_160 = tpu.memref_slice %arg2[%add3A_55] : memref<200000xi32, #tpu.memory_space<hbm>> -> memref<1560xi32, #tpu.memory_space<hbm>>
      tpu.wait_dma2 semaphore(%arg12 : memref<!tpu.dma_semaphore, #tpu.memory_space<semaphore_mem>>) src(%dma_wait3A_160 : memref<1560xi32, #tpu.memory_space<hbm>>) dst(%dma_wait3A_159 : memref<1560xi32, #tpu.memory_space<vmem>>)
      %dma_wait3A_161 = arith.constant 0 : i32
      %dma_wait3A_162 = arith.constant 0 : i32
      %dma_wait3A_163 = tpu.memref_slice %arg10[%dma_wait3A_161, %dma_wait3A_162] : memref<1568x16xf32, #tpu.memory_space<vmem>> -> memref<1560x16xf32, #tpu.memory_space<vmem>>
      %dma_wait3A_164 = tpu.memref_slice %arg3[%add3A_57, %add3A_53] : memref<25000x128xf32, #tpu.memory_space<hbm>> -> memref<1560x16xf32, #tpu.memory_space<hbm>>
      %dma_wait3A_165 = arith.constant 0 : i32
      %dma_wait3A_166 = arith.constant 0 : i32
      %dma_wait3A_167 = tpu.memref_slice %arg10[%dma_wait3A_165, %dma_wait3A_166] : memref<1568x16xf32, #tpu.memory_space<vmem>> -> memref<1560x16xf32, #tpu.memory_space<vmem>>
      %dma_wait3A_168 = tpu.memref_slice %arg3[%add3A_57, %add3A_53] : memref<25000x128xf32, #tpu.memory_space<hbm>> -> memref<1560x16xf32, #tpu.memory_space<hbm>>
      tpu.wait_dma2 semaphore(%arg14 : memref<!tpu.dma_semaphore, #tpu.memory_space<semaphore_mem>>) src(%dma_wait3A_168 : memref<1560x16xf32, #tpu.memory_space<hbm>>) dst(%dma_wait3A_167 : memref<1560x16xf32, #tpu.memory_space<vmem>>)
      "tpu.region"() ({
        %run_scoped3A = tpu.sem_alloc : memref<!tpu.dma_semaphore, #tpu.memory_space<semaphore_mem>>
        %dma_start3A_211 = arith.constant 0 : i32
        %dma_start3A_212 = arith.constant 0 : i32
        %dma_start3A_213 = tpu.memref_slice %arg10[%dma_start3A_211, %dma_start3A_212] : memref<1568x16xf32, #tpu.memory_space<vmem>> -> memref<1560x16xf32, #tpu.memory_space<vmem>>
        %dma_start3A_214 = arith.constant 0 : i32
        %dma_start3A_215 = tpu.memref_slice %arg8[%dma_start3A_214] : memref<1568xi32, #tpu.memory_space<vmem>> -> memref<1560xi32, #tpu.memory_space<vmem>>
        %dma_start3A_216 = arith.constant 0 : i32
        %dma_start3A_217 = arith.constant 0 : i32
        %dma_start3A_218 = tpu.memref_slice %arg6[%dma_start3A_216, %dma_start3A_217] : memref<50048x16xf32, #tpu.memory_space<vmem_shared>> -> memref<50048x16xf32, #tpu.memory_space<vmem_shared>>
        tpu.enqueue_indirect_dma source(%dma_start3A_213 : memref<1560x16xf32, #tpu.memory_space<vmem>>) target(%dma_start3A_218 : memref<50048x16xf32, #tpu.memory_space<vmem_shared>>) offsets(%dma_start3A_215 : memref<1560xi32, #tpu.memory_space<vmem>>) semaphore(%run_scoped3A : memref<!tpu.dma_semaphore, #tpu.memory_space<semaphore_mem>>) {add = true}
        %dma_wait3A_219 = arith.constant 0 : i32
        %dma_wait3A_220 = arith.constant 0 : i32
        %dma_wait3A_221 = tpu.memref_slice %arg10[%dma_wait3A_219, %dma_wait3A_220] : memref<1568x16xf32, #tpu.memory_space<vmem>> -> memref<1560x16xf32, #tpu.memory_space<vmem>>
        %dma_wait3A_222 = arith.constant 0 : i32
        %dma_wait3A_223 = tpu.memref_slice %arg8[%dma_wait3A_222] : memref<1568xi32, #tpu.memory_space<vmem>> -> memref<1560xi32, #tpu.memory_space<vmem>>
        %dma_wait3A_224 = arith.constant 0 : i32
        %dma_wait3A_225 = arith.constant 0 : i32
        %dma_wait3A_226 = tpu.memref_slice %arg6[%dma_wait3A_224, %dma_wait3A_225] : memref<50048x16xf32, #tpu.memory_space<vmem_shared>> -> memref<50048x16xf32, #tpu.memory_space<vmem_shared>>
        tpu.wait_indirect_dma semaphore(%run_scoped3A : memref<!tpu.dma_semaphore, #tpu.memory_space<semaphore_mem>>) src(%dma_wait3A_221 : memref<1560x16xf32, #tpu.memory_space<vmem>>) dst(%dma_wait3A_226 : memref<50048x16xf32, #tpu.memory_space<vmem_shared>>)
        tpu.yield
      }) : () -> ()
      %dma_start3A_169 = arith.constant 0 : i32
      %dma_start3A_170 = tpu.memref_slice %arg8[%dma_start3A_169] : memref<1568xi32, #tpu.memory_space<vmem>> -> memref<1560xi32, #tpu.memory_space<vmem>>
      %dma_start3A_171 = tpu.memref_slice %arg2[%add3A_95] : memref<200000xi32, #tpu.memory_space<hbm>> -> memref<1560xi32, #tpu.memory_space<hbm>>
      %dma_start3A_172 = arith.constant 0 : i32
      %dma_start3A_173 = tpu.memref_slice %arg8[%dma_start3A_172] : memref<1568xi32, #tpu.memory_space<vmem>> -> memref<1560xi32, #tpu.memory_space<vmem>>
      %dma_start3A_174 = tpu.memref_slice %arg2[%add3A_95] : memref<200000xi32, #tpu.memory_space<hbm>> -> memref<1560xi32, #tpu.memory_space<hbm>>
      tpu.enqueue_dma source(%dma_start3A_174 : memref<1560xi32, #tpu.memory_space<hbm>>) target(%dma_start3A_173 : memref<1560xi32, #tpu.memory_space<vmem>>) target_semaphore(%arg12 : memref<!tpu.dma_semaphore, #tpu.memory_space<semaphore_mem>>)
      %dma_start3A_175 = arith.constant 0 : i32
      %dma_start3A_176 = arith.constant 0 : i32
      %dma_start3A_177 = tpu.memref_slice %arg10[%dma_start3A_175, %dma_start3A_176] : memref<1568x16xf32, #tpu.memory_space<vmem>> -> memref<1560x16xf32, #tpu.memory_space<vmem>>
      %dma_start3A_178 = tpu.memref_slice %arg3[%add3A_97, %add3A_93] : memref<25000x128xf32, #tpu.memory_space<hbm>> -> memref<1560x16xf32, #tpu.memory_space<hbm>>
      %dma_start3A_179 = arith.constant 0 : i32
      %dma_start3A_180 = arith.constant 0 : i32
      %dma_start3A_181 = tpu.memref_slice %arg10[%dma_start3A_179, %dma_start3A_180] : memref<1568x16xf32, #tpu.memory_space<vmem>> -> memref<1560x16xf32, #tpu.memory_space<vmem>>
      %dma_start3A_182 = tpu.memref_slice %arg3[%add3A_97, %add3A_93] : memref<25000x128xf32, #tpu.memory_space<hbm>> -> memref<1560x16xf32, #tpu.memory_space<hbm>>
      tpu.enqueue_dma source(%dma_start3A_182 : memref<1560x16xf32, #tpu.memory_space<hbm>>) target(%dma_start3A_181 : memref<1560x16xf32, #tpu.memory_space<vmem>>) target_semaphore(%arg14 : memref<!tpu.dma_semaphore, #tpu.memory_space<semaphore_mem>>)
      %dma_wait3A_183 = arith.constant 0 : i32
      %dma_wait3A_184 = tpu.memref_slice %arg7[%dma_wait3A_183] : memref<1568xi32, #tpu.memory_space<vmem>> -> memref<1568xi32, #tpu.memory_space<vmem>>
      %dma_wait3A_185 = tpu.memref_slice %arg2[%add3A_88] : memref<200000xi32, #tpu.memory_space<hbm>> -> memref<1568xi32, #tpu.memory_space<hbm>>
      %dma_wait3A_186 = arith.constant 0 : i32
      %dma_wait3A_187 = tpu.memref_slice %arg7[%dma_wait3A_186] : memref<1568xi32, #tpu.memory_space<vmem>> -> memref<1568xi32, #tpu.memory_space<vmem>>
      %dma_wait3A_188 = tpu.memref_slice %arg2[%add3A_88] : memref<200000xi32, #tpu.memory_space<hbm>> -> memref<1568xi32, #tpu.memory_space<hbm>>
      tpu.wait_dma2 semaphore(%arg11 : memref<!tpu.dma_semaphore, #tpu.memory_space<semaphore_mem>>) src(%dma_wait3A_188 : memref<1568xi32, #tpu.memory_space<hbm>>) dst(%dma_wait3A_187 : memref<1568xi32, #tpu.memory_space<vmem>>)
      %dma_wait3A_189 = arith.constant 0 : i32
      %dma_wait3A_190 = arith.constant 0 : i32
      %dma_wait3A_191 = tpu.memref_slice %arg9[%dma_wait3A_189, %dma_wait3A_190] : memref<1568x16xf32, #tpu.memory_space<vmem>> -> memref<1568x16xf32, #tpu.memory_space<vmem>>
      %dma_wait3A_192 = tpu.memref_slice %arg3[%mul3A_90, %add3A_93] : memref<25000x128xf32, #tpu.memory_space<hbm>> -> memref<1568x16xf32, #tpu.memory_space<hbm>>
      %dma_wait3A_193 = arith.constant 0 : i32
      %dma_wait3A_194 = arith.constant 0 : i32
      %dma_wait3A_195 = tpu.memref_slice %arg9[%dma_wait3A_193, %dma_wait3A_194] : memref<1568x16xf32, #tpu.memory_space<vmem>> -> memref<1568x16xf32, #tpu.memory_space<vmem>>
      %dma_wait3A_196 = tpu.memref_slice %arg3[%mul3A_90, %add3A_93] : memref<25000x128xf32, #tpu.memory_space<hbm>> -> memref<1568x16xf32, #tpu.memory_space<hbm>>
      tpu.wait_dma2 semaphore(%arg13 : memref<!tpu.dma_semaphore, #tpu.memory_space<semaphore_mem>>) src(%dma_wait3A_196 : memref<1568x16xf32, #tpu.memory_space<hbm>>) dst(%dma_wait3A_195 : memref<1568x16xf32, #tpu.memory_space<vmem>>)
      "tpu.region"() ({
        %run_scoped3A = tpu.sem_alloc : memref<!tpu.dma_semaphore, #tpu.memory_space<semaphore_mem>>
        %dma_start3A_211 = arith.constant 0 : i32
        %dma_start3A_212 = arith.constant 0 : i32
        %dma_start3A_213 = tpu.memref_slice %arg9[%dma_start3A_211, %dma_start3A_212] : memref<1568x16xf32, #tpu.memory_space<vmem>> -> memref<1568x16xf32, #tpu.memory_space<vmem>>
        %dma_start3A_214 = arith.constant 0 : i32
        %dma_start3A_215 = tpu.memref_slice %arg7[%dma_start3A_214] : memref<1568xi32, #tpu.memory_space<vmem>> -> memref<1568xi32, #tpu.memory_space<vmem>>
        %dma_start3A_216 = arith.constant 0 : i32
        %dma_start3A_217 = arith.constant 0 : i32
        %dma_start3A_218 = tpu.memref_slice %arg6[%dma_start3A_216, %dma_start3A_217] : memref<50048x16xf32, #tpu.memory_space<vmem_shared>> -> memref<50048x16xf32, #tpu.memory_space<vmem_shared>>
        tpu.enqueue_indirect_dma source(%dma_start3A_213 : memref<1568x16xf32, #tpu.memory_space<vmem>>) target(%dma_start3A_218 : memref<50048x16xf32, #tpu.memory_space<vmem_shared>>) offsets(%dma_start3A_215 : memref<1568xi32, #tpu.memory_space<vmem>>) semaphore(%run_scoped3A : memref<!tpu.dma_semaphore, #tpu.memory_space<semaphore_mem>>) {add = true}
        %dma_wait3A_219 = arith.constant 0 : i32
        %dma_wait3A_220 = arith.constant 0 : i32
        %dma_wait3A_221 = tpu.memref_slice %arg9[%dma_wait3A_219, %dma_wait3A_220] : memref<1568x16xf32, #tpu.memory_space<vmem>> -> memref<1568x16xf32, #tpu.memory_space<vmem>>
        %dma_wait3A_222 = arith.constant 0 : i32
        %dma_wait3A_223 = tpu.memref_slice %arg7[%dma_wait3A_222] : memref<1568xi32, #tpu.memory_space<vmem>> -> memref<1568xi32, #tpu.memory_space<vmem>>
        %dma_wait3A_224 = arith.constant 0 : i32
        %dma_wait3A_225 = arith.constant 0 : i32
        %dma_wait3A_226 = tpu.memref_slice %arg6[%dma_wait3A_224, %dma_wait3A_225] : memref<50048x16xf32, #tpu.memory_space<vmem_shared>> -> memref<50048x16xf32, #tpu.memory_space<vmem_shared>>
        tpu.wait_indirect_dma semaphore(%run_scoped3A : memref<!tpu.dma_semaphore, #tpu.memory_space<semaphore_mem>>) src(%dma_wait3A_221 : memref<1568x16xf32, #tpu.memory_space<vmem>>) dst(%dma_wait3A_226 : memref<50048x16xf32, #tpu.memory_space<vmem_shared>>)
        tpu.yield
      }) : () -> ()
      %dma_wait3A_197 = arith.constant 0 : i32
      %dma_wait3A_198 = tpu.memref_slice %arg8[%dma_wait3A_197] : memref<1568xi32, #tpu.memory_space<vmem>> -> memref<1560xi32, #tpu.memory_space<vmem>>
      %dma_wait3A_199 = tpu.memref_slice %arg2[%add3A_95] : memref<200000xi32, #tpu.memory_space<hbm>> -> memref<1560xi32, #tpu.memory_space<hbm>>
      %dma_wait3A_200 = arith.constant 0 : i32
      %dma_wait3A_201 = tpu.memref_slice %arg8[%dma_wait3A_200] : memref<1568xi32, #tpu.memory_space<vmem>> -> memref<1560xi32, #tpu.memory_space<vmem>>
      %dma_wait3A_202 = tpu.memref_slice %arg2[%add3A_95] : memref<200000xi32, #tpu.memory_space<hbm>> -> memref<1560xi32, #tpu.memory_space<hbm>>
      tpu.wait_dma2 semaphore(%arg12 : memref<!tpu.dma_semaphore, #tpu.memory_space<semaphore_mem>>) src(%dma_wait3A_202 : memref<1560xi32, #tpu.memory_space<hbm>>) dst(%dma_wait3A_201 : memref<1560xi32, #tpu.memory_space<vmem>>)
      %dma_wait3A_203 = arith.constant 0 : i32
      %dma_wait3A_204 = arith.constant 0 : i32
      %dma_wait3A_205 = tpu.memref_slice %arg10[%dma_wait3A_203, %dma_wait3A_204] : memref<1568x16xf32, #tpu.memory_space<vmem>> -> memref<1560x16xf32, #tpu.memory_space<vmem>>
      %dma_wait3A_206 = tpu.memref_slice %arg3[%add3A_97, %add3A_93] : memref<25000x128xf32, #tpu.memory_space<hbm>> -> memref<1560x16xf32, #tpu.memory_space<hbm>>
      %dma_wait3A_207 = arith.constant 0 : i32
      %dma_wait3A_208 = arith.constant 0 : i32
      %dma_wait3A_209 = tpu.memref_slice %arg10[%dma_wait3A_207, %dma_wait3A_208] : memref<1568x16xf32, #tpu.memory_space<vmem>> -> memref<1560x16xf32, #tpu.memory_space<vmem>>
      %dma_wait3A_210 = tpu.memref_slice %arg3[%add3A_97, %add3A_93] : memref<25000x128xf32, #tpu.memory_space<hbm>> -> memref<1560x16xf32, #tpu.memory_space<hbm>>
      tpu.wait_dma2 semaphore(%arg14 : memref<!tpu.dma_semaphore, #tpu.memory_space<semaphore_mem>>) src(%dma_wait3A_210 : memref<1560x16xf32, #tpu.memory_space<hbm>>) dst(%dma_wait3A_209 : memref<1560x16xf32, #tpu.memory_space<vmem>>)
      "tpu.region"() ({
        %run_scoped3A = tpu.sem_alloc : memref<!tpu.dma_semaphore, #tpu.memory_space<semaphore_mem>>
        %dma_start3A_211 = arith.constant 0 : i32
        %dma_start3A_212 = arith.constant 0 : i32
        %dma_start3A_213 = tpu.memref_slice %arg10[%dma_start3A_211, %dma_start3A_212] : memref<1568x16xf32, #tpu.memory_space<vmem>> -> memref<1560x16xf32, #tpu.memory_space<vmem>>
        %dma_start3A_214 = arith.constant 0 : i32
        %dma_start3A_215 = tpu.memref_slice %arg8[%dma_start3A_214] : memref<1568xi32, #tpu.memory_space<vmem>> -> memref<1560xi32, #tpu.memory_space<vmem>>
        %dma_start3A_216 = arith.constant 0 : i32
        %dma_start3A_217 = arith.constant 0 : i32
        %dma_start3A_218 = tpu.memref_slice %arg6[%dma_start3A_216, %dma_start3A_217] : memref<50048x16xf32, #tpu.memory_space<vmem_shared>> -> memref<50048x16xf32, #tpu.memory_space<vmem_shared>>
        tpu.enqueue_indirect_dma source(%dma_start3A_213 : memref<1560x16xf32, #tpu.memory_space<vmem>>) target(%dma_start3A_218 : memref<50048x16xf32, #tpu.memory_space<vmem_shared>>) offsets(%dma_start3A_215 : memref<1560xi32, #tpu.memory_space<vmem>>) semaphore(%run_scoped3A : memref<!tpu.dma_semaphore, #tpu.memory_space<semaphore_mem>>) {add = true}
        %dma_wait3A_219 = arith.constant 0 : i32
        %dma_wait3A_220 = arith.constant 0 : i32
        %dma_wait3A_221 = tpu.memref_slice %arg10[%dma_wait3A_219, %dma_wait3A_220] : memref<1568x16xf32, #tpu.memory_space<vmem>> -> memref<1560x16xf32, #tpu.memory_space<vmem>>
        %dma_wait3A_222 = arith.constant 0 : i32
        %dma_wait3A_223 = tpu.memref_slice %arg8[%dma_wait3A_222] : memref<1568xi32, #tpu.memory_space<vmem>> -> memref<1560xi32, #tpu.memory_space<vmem>>
        %dma_wait3A_224 = arith.constant 0 : i32
        %dma_wait3A_225 = arith.constant 0 : i32
        %dma_wait3A_226 = tpu.memref_slice %arg6[%dma_wait3A_224, %dma_wait3A_225] : memref<50048x16xf32, #tpu.memory_space<vmem_shared>> -> memref<50048x16xf32, #tpu.memory_space<vmem_shared>>
        tpu.wait_indirect_dma semaphore(%run_scoped3A : memref<!tpu.dma_semaphore, #tpu.memory_space<semaphore_mem>>) src(%dma_wait3A_221 : memref<1560x16xf32, #tpu.memory_space<vmem>>) dst(%dma_wait3A_226 : memref<50048x16xf32, #tpu.memory_space<vmem_shared>>)
        tpu.yield
      }) : () -> ()
    } else {
    }
    %eq3A_12 = arith.constant 7 : i32
    %eq3A_13 = arith.cmpi eq, %select_n3A_7, %eq3A_12 : i32
    %convert_element_type3A_14 = arith.extui %eq3A_13 : i1 to i32
    %cond3A_15 = arith.constant 0 : i32
    %cond3A_16 = arith.cmpi ne, %convert_element_type3A_14, %cond3A_15 : i32
    scf.if %cond3A_16 {
      %add3A_21 = arith.constant 0 : i32
      %add3A_22 = arith.addi %arg1, %add3A_21 : i32
      %jit3A_23 = arith.constant 8 : i32
      %div3A = arith.divsi %add3A_22, %jit3A_23 : i32
      %sign3A = arith.constant 0 : i32
      %sign3A_24 = arith.cmpi sgt, %add3A_22, %sign3A : i32
      %sign3A_25 = arith.extui %sign3A_24 : i1 to i32
      %sign3A_26 = arith.constant 0 : i32
      %sign3A_27 = arith.cmpi slt, %add3A_22, %sign3A_26 : i32
      %sign3A_28 = arith.extui %sign3A_27 : i1 to i32
      %sign3A_29 = arith.subi %sign3A_25, %sign3A_28 : i32
      %sign3A_30 = arith.constant 0 : i32
      %sign3A_31 = arith.cmpi sgt, %jit3A_23, %sign3A_30 : i32
      %sign3A_32 = arith.extui %sign3A_31 : i1 to i32
      %sign3A_33 = arith.constant 0 : i32
      %sign3A_34 = arith.cmpi slt, %jit3A_23, %sign3A_33 : i32
      %sign3A_35 = arith.extui %sign3A_34 : i1 to i32
      %sign3A_36 = arith.subi %sign3A_32, %sign3A_35 : i32
      %ne3A_37 = arith.cmpi ne, %sign3A_29, %sign3A_36 : i32
      %rem3A_38 = arith.remsi %add3A_22, %jit3A_23 : i32
      %ne3A_39 = arith.constant 0 : i32
      %ne3A_40 = arith.cmpi ne, %rem3A_38, %ne3A_39 : i32
      %and3A_41 = arith.andi %ne3A_37, %ne3A_40 : i1
      %sub3A = arith.constant 1 : i32
      %sub3A_42 = arith.subi %div3A, %sub3A : i32
      %select_n3A_43 = arith.select %and3A_41, %sub3A_42, %div3A : i32
      %mul3A_44 = arith.constant 25000 : i32
      %mul3A_45 = arith.muli %select_n3A_43, %mul3A_44 : i32
      %mul3A_46 = arith.constant 3128 : i32
      %mul3A_47 = arith.muli %select_n3A_7, %mul3A_46 : i32
      %add3A_48 = arith.addi %mul3A_45, %mul3A_47 : i32
      %mul3A_49 = arith.constant 3128 : i32
      %mul3A_50 = arith.muli %select_n3A_7, %mul3A_49 : i32
      %mul3A_51 = arith.constant 32 : i32
      %mul3A_52 = arith.muli %select_n3A_43, %mul3A_51 : i32
      %add3A_53 = arith.addi %mul3A_52, %mul3A_8 : i32
      %add3A_54 = arith.constant 1568 : i32
      %add3A_55 = arith.addi %add3A_48, %add3A_54 : i32
      %add3A_56 = arith.constant 1568 : i32
      %add3A_57 = arith.addi %mul3A_50, %add3A_56 : i32
      %add3A_58 = arith.constant 16 : i32
      %add3A_59 = arith.addi %arg1, %add3A_58 : i32
      %jit3A_60 = arith.constant 8 : i32
      %div3A_61 = arith.divsi %add3A_59, %jit3A_60 : i32
      %sign3A_62 = arith.constant 0 : i32
      %sign3A_63 = arith.cmpi sgt, %add3A_59, %sign3A_62 : i32
      %sign3A_64 = arith.extui %sign3A_63 : i1 to i32
      %sign3A_65 = arith.constant 0 : i32
      %sign3A_66 = arith.cmpi slt, %add3A_59, %sign3A_65 : i32
      %sign3A_67 = arith.extui %sign3A_66 : i1 to i32
      %sign3A_68 = arith.subi %sign3A_64, %sign3A_67 : i32
      %sign3A_69 = arith.constant 0 : i32
      %sign3A_70 = arith.cmpi sgt, %jit3A_60, %sign3A_69 : i32
      %sign3A_71 = arith.extui %sign3A_70 : i1 to i32
      %sign3A_72 = arith.constant 0 : i32
      %sign3A_73 = arith.cmpi slt, %jit3A_60, %sign3A_72 : i32
      %sign3A_74 = arith.extui %sign3A_73 : i1 to i32
      %sign3A_75 = arith.subi %sign3A_71, %sign3A_74 : i32
      %ne3A_76 = arith.cmpi ne, %sign3A_68, %sign3A_75 : i32
      %rem3A_77 = arith.remsi %add3A_59, %jit3A_60 : i32
      %ne3A_78 = arith.constant 0 : i32
      %ne3A_79 = arith.cmpi ne, %rem3A_77, %ne3A_78 : i32
      %and3A_80 = arith.andi %ne3A_76, %ne3A_79 : i1
      %sub3A_81 = arith.constant 1 : i32
      %sub3A_82 = arith.subi %div3A_61, %sub3A_81 : i32
      %select_n3A_83 = arith.select %and3A_80, %sub3A_82, %div3A_61 : i32
      %mul3A_84 = arith.constant 25000 : i32
      %mul3A_85 = arith.muli %select_n3A_83, %mul3A_84 : i32
      %mul3A_86 = arith.constant 3128 : i32
      %mul3A_87 = arith.muli %select_n3A_7, %mul3A_86 : i32
      %add3A_88 = arith.addi %mul3A_85, %mul3A_87 : i32
      %mul3A_89 = arith.constant 3128 : i32
      %mul3A_90 = arith.muli %select_n3A_7, %mul3A_89 : i32
      %mul3A_91 = arith.constant 32 : i32
      %mul3A_92 = arith.muli %select_n3A_83, %mul3A_91 : i32
      %add3A_93 = arith.addi %mul3A_92, %mul3A_8 : i32
      %add3A_94 = arith.constant 1568 : i32
      %add3A_95 = arith.addi %add3A_88, %add3A_94 : i32
      %add3A_96 = arith.constant 1568 : i32
      %add3A_97 = arith.addi %mul3A_90, %add3A_96 : i32
      %dma_start3A = arith.constant 0 : i32
      %dma_start3A_98 = tpu.memref_slice %arg7[%dma_start3A] : memref<1568xi32, #tpu.memory_space<vmem>> -> memref<1568xi32, #tpu.memory_space<vmem>>
      %dma_start3A_99 = tpu.memref_slice %arg2[%add3A_48] : memref<200000xi32, #tpu.memory_space<hbm>> -> memref<1568xi32, #tpu.memory_space<hbm>>
      %dma_start3A_100 = arith.constant 0 : i32
      %dma_start3A_101 = tpu.memref_slice %arg7[%dma_start3A_100] : memref<1568xi32, #tpu.memory_space<vmem>> -> memref<1568xi32, #tpu.memory_space<vmem>>
      %dma_start3A_102 = tpu.memref_slice %arg2[%add3A_48] : memref<200000xi32, #tpu.memory_space<hbm>> -> memref<1568xi32, #tpu.memory_space<hbm>>
      tpu.enqueue_dma source(%dma_start3A_102 : memref<1568xi32, #tpu.memory_space<hbm>>) target(%dma_start3A_101 : memref<1568xi32, #tpu.memory_space<vmem>>) target_semaphore(%arg11 : memref<!tpu.dma_semaphore, #tpu.memory_space<semaphore_mem>>)
      %dma_start3A_103 = arith.constant 0 : i32
      %dma_start3A_104 = arith.constant 0 : i32
      %dma_start3A_105 = tpu.memref_slice %arg9[%dma_start3A_103, %dma_start3A_104] : memref<1568x16xf32, #tpu.memory_space<vmem>> -> memref<1568x16xf32, #tpu.memory_space<vmem>>
      %dma_start3A_106 = tpu.memref_slice %arg3[%mul3A_50, %add3A_53] : memref<25000x128xf32, #tpu.memory_space<hbm>> -> memref<1568x16xf32, #tpu.memory_space<hbm>>
      %dma_start3A_107 = arith.constant 0 : i32
      %dma_start3A_108 = arith.constant 0 : i32
      %dma_start3A_109 = tpu.memref_slice %arg9[%dma_start3A_107, %dma_start3A_108] : memref<1568x16xf32, #tpu.memory_space<vmem>> -> memref<1568x16xf32, #tpu.memory_space<vmem>>
      %dma_start3A_110 = tpu.memref_slice %arg3[%mul3A_50, %add3A_53] : memref<25000x128xf32, #tpu.memory_space<hbm>> -> memref<1568x16xf32, #tpu.memory_space<hbm>>
      tpu.enqueue_dma source(%dma_start3A_110 : memref<1568x16xf32, #tpu.memory_space<hbm>>) target(%dma_start3A_109 : memref<1568x16xf32, #tpu.memory_space<vmem>>) target_semaphore(%arg13 : memref<!tpu.dma_semaphore, #tpu.memory_space<semaphore_mem>>)
      %mul3A_111 = arith.constant 3128 : i32
      %mul3A_112 = arith.muli %arg1, %mul3A_111 : i32
      "tpu.region"() ({
        %run_scoped3A = tpu.sem_alloc : memref<!tpu.dma_semaphore, #tpu.memory_space<semaphore_mem>>
        %dma_start3A_211 = arith.constant 0 : i32
        %dma_start3A_212 = tpu.memref_slice %arg6[%mul3A_112, %dma_start3A_211] : memref<50048x16xf32, #tpu.memory_space<vmem_shared>> -> memref<3128x16xf32, #tpu.memory_space<vmem_shared>>
        tpu.enqueue_dma source(%arg4 : memref<3128x16xf32, #tpu.memory_space<hbm>>) target(%dma_start3A_212 : memref<3128x16xf32, #tpu.memory_space<vmem_shared>>) target_semaphore(%run_scoped3A : memref<!tpu.dma_semaphore, #tpu.memory_space<semaphore_mem>>)
        %dma_wait3A_213 = arith.constant 0 : i32
        %dma_wait3A_214 = tpu.memref_slice %arg6[%mul3A_112, %dma_wait3A_213] : memref<50048x16xf32, #tpu.memory_space<vmem_shared>> -> memref<3128x16xf32, #tpu.memory_space<vmem_shared>>
        tpu.wait_dma2 semaphore(%run_scoped3A : memref<!tpu.dma_semaphore, #tpu.memory_space<semaphore_mem>>) src(%arg4 : memref<3128x16xf32, #tpu.memory_space<hbm>>) dst(%dma_wait3A_214 : memref<3128x16xf32, #tpu.memory_space<vmem_shared>>)
        tpu.yield
      }) : () -> ()
      %barrier3A_113 = arith.constant 0 : index
      tpu.barrier barrier_id(%barrier3A_113)
      %dma_start3A_114 = arith.constant 0 : i32
      %dma_start3A_115 = tpu.memref_slice %arg8[%dma_start3A_114] : memref<1568xi32, #tpu.memory_space<vmem>> -> memref<1536xi32, #tpu.memory_space<vmem>>
      %dma_start3A_116 = tpu.memref_slice %arg2[%add3A_55] : memref<200000xi32, #tpu.memory_space<hbm>> -> memref<1536xi32, #tpu.memory_space<hbm>>
      %dma_start3A_117 = arith.constant 0 : i32
      %dma_start3A_118 = tpu.memref_slice %arg8[%dma_start3A_117] : memref<1568xi32, #tpu.memory_space<vmem>> -> memref<1536xi32, #tpu.memory_space<vmem>>
      %dma_start3A_119 = tpu.memref_slice %arg2[%add3A_55] : memref<200000xi32, #tpu.memory_space<hbm>> -> memref<1536xi32, #tpu.memory_space<hbm>>
      tpu.enqueue_dma source(%dma_start3A_119 : memref<1536xi32, #tpu.memory_space<hbm>>) target(%dma_start3A_118 : memref<1536xi32, #tpu.memory_space<vmem>>) target_semaphore(%arg12 : memref<!tpu.dma_semaphore, #tpu.memory_space<semaphore_mem>>)
      %dma_start3A_120 = arith.constant 0 : i32
      %dma_start3A_121 = arith.constant 0 : i32
      %dma_start3A_122 = tpu.memref_slice %arg10[%dma_start3A_120, %dma_start3A_121] : memref<1568x16xf32, #tpu.memory_space<vmem>> -> memref<1536x16xf32, #tpu.memory_space<vmem>>
      %dma_start3A_123 = tpu.memref_slice %arg3[%add3A_57, %add3A_53] : memref<25000x128xf32, #tpu.memory_space<hbm>> -> memref<1536x16xf32, #tpu.memory_space<hbm>>
      %dma_start3A_124 = arith.constant 0 : i32
      %dma_start3A_125 = arith.constant 0 : i32
      %dma_start3A_126 = tpu.memref_slice %arg10[%dma_start3A_124, %dma_start3A_125] : memref<1568x16xf32, #tpu.memory_space<vmem>> -> memref<1536x16xf32, #tpu.memory_space<vmem>>
      %dma_start3A_127 = tpu.memref_slice %arg3[%add3A_57, %add3A_53] : memref<25000x128xf32, #tpu.memory_space<hbm>> -> memref<1536x16xf32, #tpu.memory_space<hbm>>
      tpu.enqueue_dma source(%dma_start3A_127 : memref<1536x16xf32, #tpu.memory_space<hbm>>) target(%dma_start3A_126 : memref<1536x16xf32, #tpu.memory_space<vmem>>) target_semaphore(%arg14 : memref<!tpu.dma_semaphore, #tpu.memory_space<semaphore_mem>>)
      %dma_wait3A = arith.constant 0 : i32
      %dma_wait3A_128 = tpu.memref_slice %arg7[%dma_wait3A] : memref<1568xi32, #tpu.memory_space<vmem>> -> memref<1568xi32, #tpu.memory_space<vmem>>
      %dma_wait3A_129 = tpu.memref_slice %arg2[%add3A_48] : memref<200000xi32, #tpu.memory_space<hbm>> -> memref<1568xi32, #tpu.memory_space<hbm>>
      %dma_wait3A_130 = arith.constant 0 : i32
      %dma_wait3A_131 = tpu.memref_slice %arg7[%dma_wait3A_130] : memref<1568xi32, #tpu.memory_space<vmem>> -> memref<1568xi32, #tpu.memory_space<vmem>>
      %dma_wait3A_132 = tpu.memref_slice %arg2[%add3A_48] : memref<200000xi32, #tpu.memory_space<hbm>> -> memref<1568xi32, #tpu.memory_space<hbm>>
      tpu.wait_dma2 semaphore(%arg11 : memref<!tpu.dma_semaphore, #tpu.memory_space<semaphore_mem>>) src(%dma_wait3A_132 : memref<1568xi32, #tpu.memory_space<hbm>>) dst(%dma_wait3A_131 : memref<1568xi32, #tpu.memory_space<vmem>>)
      %dma_wait3A_133 = arith.constant 0 : i32
      %dma_wait3A_134 = arith.constant 0 : i32
      %dma_wait3A_135 = tpu.memref_slice %arg9[%dma_wait3A_133, %dma_wait3A_134] : memref<1568x16xf32, #tpu.memory_space<vmem>> -> memref<1568x16xf32, #tpu.memory_space<vmem>>
      %dma_wait3A_136 = tpu.memref_slice %arg3[%mul3A_50, %add3A_53] : memref<25000x128xf32, #tpu.memory_space<hbm>> -> memref<1568x16xf32, #tpu.memory_space<hbm>>
      %dma_wait3A_137 = arith.constant 0 : i32
      %dma_wait3A_138 = arith.constant 0 : i32
      %dma_wait3A_139 = tpu.memref_slice %arg9[%dma_wait3A_137, %dma_wait3A_138] : memref<1568x16xf32, #tpu.memory_space<vmem>> -> memref<1568x16xf32, #tpu.memory_space<vmem>>
      %dma_wait3A_140 = tpu.memref_slice %arg3[%mul3A_50, %add3A_53] : memref<25000x128xf32, #tpu.memory_space<hbm>> -> memref<1568x16xf32, #tpu.memory_space<hbm>>
      tpu.wait_dma2 semaphore(%arg13 : memref<!tpu.dma_semaphore, #tpu.memory_space<semaphore_mem>>) src(%dma_wait3A_140 : memref<1568x16xf32, #tpu.memory_space<hbm>>) dst(%dma_wait3A_139 : memref<1568x16xf32, #tpu.memory_space<vmem>>)
      "tpu.region"() ({
        %run_scoped3A = tpu.sem_alloc : memref<!tpu.dma_semaphore, #tpu.memory_space<semaphore_mem>>
        %dma_start3A_211 = arith.constant 0 : i32
        %dma_start3A_212 = arith.constant 0 : i32
        %dma_start3A_213 = tpu.memref_slice %arg9[%dma_start3A_211, %dma_start3A_212] : memref<1568x16xf32, #tpu.memory_space<vmem>> -> memref<1568x16xf32, #tpu.memory_space<vmem>>
        %dma_start3A_214 = arith.constant 0 : i32
        %dma_start3A_215 = tpu.memref_slice %arg7[%dma_start3A_214] : memref<1568xi32, #tpu.memory_space<vmem>> -> memref<1568xi32, #tpu.memory_space<vmem>>
        %dma_start3A_216 = arith.constant 0 : i32
        %dma_start3A_217 = arith.constant 0 : i32
        %dma_start3A_218 = tpu.memref_slice %arg6[%dma_start3A_216, %dma_start3A_217] : memref<50048x16xf32, #tpu.memory_space<vmem_shared>> -> memref<50048x16xf32, #tpu.memory_space<vmem_shared>>
        tpu.enqueue_indirect_dma source(%dma_start3A_213 : memref<1568x16xf32, #tpu.memory_space<vmem>>) target(%dma_start3A_218 : memref<50048x16xf32, #tpu.memory_space<vmem_shared>>) offsets(%dma_start3A_215 : memref<1568xi32, #tpu.memory_space<vmem>>) semaphore(%run_scoped3A : memref<!tpu.dma_semaphore, #tpu.memory_space<semaphore_mem>>) {add = true}
        %dma_wait3A_219 = arith.constant 0 : i32
        %dma_wait3A_220 = arith.constant 0 : i32
        %dma_wait3A_221 = tpu.memref_slice %arg9[%dma_wait3A_219, %dma_wait3A_220] : memref<1568x16xf32, #tpu.memory_space<vmem>> -> memref<1568x16xf32, #tpu.memory_space<vmem>>
        %dma_wait3A_222 = arith.constant 0 : i32
        %dma_wait3A_223 = tpu.memref_slice %arg7[%dma_wait3A_222] : memref<1568xi32, #tpu.memory_space<vmem>> -> memref<1568xi32, #tpu.memory_space<vmem>>
        %dma_wait3A_224 = arith.constant 0 : i32
        %dma_wait3A_225 = arith.constant 0 : i32
        %dma_wait3A_226 = tpu.memref_slice %arg6[%dma_wait3A_224, %dma_wait3A_225] : memref<50048x16xf32, #tpu.memory_space<vmem_shared>> -> memref<50048x16xf32, #tpu.memory_space<vmem_shared>>
        tpu.wait_indirect_dma semaphore(%run_scoped3A : memref<!tpu.dma_semaphore, #tpu.memory_space<semaphore_mem>>) src(%dma_wait3A_221 : memref<1568x16xf32, #tpu.memory_space<vmem>>) dst(%dma_wait3A_226 : memref<50048x16xf32, #tpu.memory_space<vmem_shared>>)
        tpu.yield
      }) : () -> ()
      %dma_start3A_141 = arith.constant 0 : i32
      %dma_start3A_142 = tpu.memref_slice %arg7[%dma_start3A_141] : memref<1568xi32, #tpu.memory_space<vmem>> -> memref<1568xi32, #tpu.memory_space<vmem>>
      %dma_start3A_143 = tpu.memref_slice %arg2[%add3A_88] : memref<200000xi32, #tpu.memory_space<hbm>> -> memref<1568xi32, #tpu.memory_space<hbm>>
      %dma_start3A_144 = arith.constant 0 : i32
      %dma_start3A_145 = tpu.memref_slice %arg7[%dma_start3A_144] : memref<1568xi32, #tpu.memory_space<vmem>> -> memref<1568xi32, #tpu.memory_space<vmem>>
      %dma_start3A_146 = tpu.memref_slice %arg2[%add3A_88] : memref<200000xi32, #tpu.memory_space<hbm>> -> memref<1568xi32, #tpu.memory_space<hbm>>
      tpu.enqueue_dma source(%dma_start3A_146 : memref<1568xi32, #tpu.memory_space<hbm>>) target(%dma_start3A_145 : memref<1568xi32, #tpu.memory_space<vmem>>) target_semaphore(%arg11 : memref<!tpu.dma_semaphore, #tpu.memory_space<semaphore_mem>>)
      %dma_start3A_147 = arith.constant 0 : i32
      %dma_start3A_148 = arith.constant 0 : i32
      %dma_start3A_149 = tpu.memref_slice %arg9[%dma_start3A_147, %dma_start3A_148] : memref<1568x16xf32, #tpu.memory_space<vmem>> -> memref<1568x16xf32, #tpu.memory_space<vmem>>
      %dma_start3A_150 = tpu.memref_slice %arg3[%mul3A_90, %add3A_93] : memref<25000x128xf32, #tpu.memory_space<hbm>> -> memref<1568x16xf32, #tpu.memory_space<hbm>>
      %dma_start3A_151 = arith.constant 0 : i32
      %dma_start3A_152 = arith.constant 0 : i32
      %dma_start3A_153 = tpu.memref_slice %arg9[%dma_start3A_151, %dma_start3A_152] : memref<1568x16xf32, #tpu.memory_space<vmem>> -> memref<1568x16xf32, #tpu.memory_space<vmem>>
      %dma_start3A_154 = tpu.memref_slice %arg3[%mul3A_90, %add3A_93] : memref<25000x128xf32, #tpu.memory_space<hbm>> -> memref<1568x16xf32, #tpu.memory_space<hbm>>
      tpu.enqueue_dma source(%dma_start3A_154 : memref<1568x16xf32, #tpu.memory_space<hbm>>) target(%dma_start3A_153 : memref<1568x16xf32, #tpu.memory_space<vmem>>) target_semaphore(%arg13 : memref<!tpu.dma_semaphore, #tpu.memory_space<semaphore_mem>>)
      %dma_wait3A_155 = arith.constant 0 : i32
      %dma_wait3A_156 = tpu.memref_slice %arg8[%dma_wait3A_155] : memref<1568xi32, #tpu.memory_space<vmem>> -> memref<1536xi32, #tpu.memory_space<vmem>>
      %dma_wait3A_157 = tpu.memref_slice %arg2[%add3A_55] : memref<200000xi32, #tpu.memory_space<hbm>> -> memref<1536xi32, #tpu.memory_space<hbm>>
      %dma_wait3A_158 = arith.constant 0 : i32
      %dma_wait3A_159 = tpu.memref_slice %arg8[%dma_wait3A_158] : memref<1568xi32, #tpu.memory_space<vmem>> -> memref<1536xi32, #tpu.memory_space<vmem>>
      %dma_wait3A_160 = tpu.memref_slice %arg2[%add3A_55] : memref<200000xi32, #tpu.memory_space<hbm>> -> memref<1536xi32, #tpu.memory_space<hbm>>
      tpu.wait_dma2 semaphore(%arg12 : memref<!tpu.dma_semaphore, #tpu.memory_space<semaphore_mem>>) src(%dma_wait3A_160 : memref<1536xi32, #tpu.memory_space<hbm>>) dst(%dma_wait3A_159 : memref<1536xi32, #tpu.memory_space<vmem>>)
      %dma_wait3A_161 = arith.constant 0 : i32
      %dma_wait3A_162 = arith.constant 0 : i32
      %dma_wait3A_163 = tpu.memref_slice %arg10[%dma_wait3A_161, %dma_wait3A_162] : memref<1568x16xf32, #tpu.memory_space<vmem>> -> memref<1536x16xf32, #tpu.memory_space<vmem>>
      %dma_wait3A_164 = tpu.memref_slice %arg3[%add3A_57, %add3A_53] : memref<25000x128xf32, #tpu.memory_space<hbm>> -> memref<1536x16xf32, #tpu.memory_space<hbm>>
      %dma_wait3A_165 = arith.constant 0 : i32
      %dma_wait3A_166 = arith.constant 0 : i32
      %dma_wait3A_167 = tpu.memref_slice %arg10[%dma_wait3A_165, %dma_wait3A_166] : memref<1568x16xf32, #tpu.memory_space<vmem>> -> memref<1536x16xf32, #tpu.memory_space<vmem>>
      %dma_wait3A_168 = tpu.memref_slice %arg3[%add3A_57, %add3A_53] : memref<25000x128xf32, #tpu.memory_space<hbm>> -> memref<1536x16xf32, #tpu.memory_space<hbm>>
      tpu.wait_dma2 semaphore(%arg14 : memref<!tpu.dma_semaphore, #tpu.memory_space<semaphore_mem>>) src(%dma_wait3A_168 : memref<1536x16xf32, #tpu.memory_space<hbm>>) dst(%dma_wait3A_167 : memref<1536x16xf32, #tpu.memory_space<vmem>>)
      "tpu.region"() ({
        %run_scoped3A = tpu.sem_alloc : memref<!tpu.dma_semaphore, #tpu.memory_space<semaphore_mem>>
        %dma_start3A_211 = arith.constant 0 : i32
        %dma_start3A_212 = arith.constant 0 : i32
        %dma_start3A_213 = tpu.memref_slice %arg10[%dma_start3A_211, %dma_start3A_212] : memref<1568x16xf32, #tpu.memory_space<vmem>> -> memref<1536x16xf32, #tpu.memory_space<vmem>>
        %dma_start3A_214 = arith.constant 0 : i32
        %dma_start3A_215 = tpu.memref_slice %arg8[%dma_start3A_214] : memref<1568xi32, #tpu.memory_space<vmem>> -> memref<1536xi32, #tpu.memory_space<vmem>>
        %dma_start3A_216 = arith.constant 0 : i32
        %dma_start3A_217 = arith.constant 0 : i32
        %dma_start3A_218 = tpu.memref_slice %arg6[%dma_start3A_216, %dma_start3A_217] : memref<50048x16xf32, #tpu.memory_space<vmem_shared>> -> memref<50048x16xf32, #tpu.memory_space<vmem_shared>>
        tpu.enqueue_indirect_dma source(%dma_start3A_213 : memref<1536x16xf32, #tpu.memory_space<vmem>>) target(%dma_start3A_218 : memref<50048x16xf32, #tpu.memory_space<vmem_shared>>) offsets(%dma_start3A_215 : memref<1536xi32, #tpu.memory_space<vmem>>) semaphore(%run_scoped3A : memref<!tpu.dma_semaphore, #tpu.memory_space<semaphore_mem>>) {add = true}
        %dma_wait3A_219 = arith.constant 0 : i32
        %dma_wait3A_220 = arith.constant 0 : i32
        %dma_wait3A_221 = tpu.memref_slice %arg10[%dma_wait3A_219, %dma_wait3A_220] : memref<1568x16xf32, #tpu.memory_space<vmem>> -> memref<1536x16xf32, #tpu.memory_space<vmem>>
        %dma_wait3A_222 = arith.constant 0 : i32
        %dma_wait3A_223 = tpu.memref_slice %arg8[%dma_wait3A_222] : memref<1568xi32, #tpu.memory_space<vmem>> -> memref<1536xi32, #tpu.memory_space<vmem>>
        %dma_wait3A_224 = arith.constant 0 : i32
        %dma_wait3A_225 = arith.constant 0 : i32
        %dma_wait3A_226 = tpu.memref_slice %arg6[%dma_wait3A_224, %dma_wait3A_225] : memref<50048x16xf32, #tpu.memory_space<vmem_shared>> -> memref<50048x16xf32, #tpu.memory_space<vmem_shared>>
        tpu.wait_indirect_dma semaphore(%run_scoped3A : memref<!tpu.dma_semaphore, #tpu.memory_space<semaphore_mem>>) src(%dma_wait3A_221 : memref<1536x16xf32, #tpu.memory_space<vmem>>) dst(%dma_wait3A_226 : memref<50048x16xf32, #tpu.memory_space<vmem_shared>>)
        tpu.yield
      }) : () -> ()
      %dma_start3A_169 = arith.constant 0 : i32
      %dma_start3A_170 = tpu.memref_slice %arg8[%dma_start3A_169] : memref<1568xi32, #tpu.memory_space<vmem>> -> memref<1536xi32, #tpu.memory_space<vmem>>
      %dma_start3A_171 = tpu.memref_slice %arg2[%add3A_95] : memref<200000xi32, #tpu.memory_space<hbm>> -> memref<1536xi32, #tpu.memory_space<hbm>>
      %dma_start3A_172 = arith.constant 0 : i32
      %dma_start3A_173 = tpu.memref_slice %arg8[%dma_start3A_172] : memref<1568xi32, #tpu.memory_space<vmem>> -> memref<1536xi32, #tpu.memory_space<vmem>>
      %dma_start3A_174 = tpu.memref_slice %arg2[%add3A_95] : memref<200000xi32, #tpu.memory_space<hbm>> -> memref<1536xi32, #tpu.memory_space<hbm>>
      tpu.enqueue_dma source(%dma_start3A_174 : memref<1536xi32, #tpu.memory_space<hbm>>) target(%dma_start3A_173 : memref<1536xi32, #tpu.memory_space<vmem>>) target_semaphore(%arg12 : memref<!tpu.dma_semaphore, #tpu.memory_space<semaphore_mem>>)
      %dma_start3A_175 = arith.constant 0 : i32
      %dma_start3A_176 = arith.constant 0 : i32
      %dma_start3A_177 = tpu.memref_slice %arg10[%dma_start3A_175, %dma_start3A_176] : memref<1568x16xf32, #tpu.memory_space<vmem>> -> memref<1536x16xf32, #tpu.memory_space<vmem>>
      %dma_start3A_178 = tpu.memref_slice %arg3[%add3A_97, %add3A_93] : memref<25000x128xf32, #tpu.memory_space<hbm>> -> memref<1536x16xf32, #tpu.memory_space<hbm>>
      %dma_start3A_179 = arith.constant 0 : i32
      %dma_start3A_180 = arith.constant 0 : i32
      %dma_start3A_181 = tpu.memref_slice %arg10[%dma_start3A_179, %dma_start3A_180] : memref<1568x16xf32, #tpu.memory_space<vmem>> -> memref<1536x16xf32, #tpu.memory_space<vmem>>
      %dma_start3A_182 = tpu.memref_slice %arg3[%add3A_97, %add3A_93] : memref<25000x128xf32, #tpu.memory_space<hbm>> -> memref<1536x16xf32, #tpu.memory_space<hbm>>
      tpu.enqueue_dma source(%dma_start3A_182 : memref<1536x16xf32, #tpu.memory_space<hbm>>) target(%dma_start3A_181 : memref<1536x16xf32, #tpu.memory_space<vmem>>) target_semaphore(%arg14 : memref<!tpu.dma_semaphore, #tpu.memory_space<semaphore_mem>>)
      %dma_wait3A_183 = arith.constant 0 : i32
      %dma_wait3A_184 = tpu.memref_slice %arg7[%dma_wait3A_183] : memref<1568xi32, #tpu.memory_space<vmem>> -> memref<1568xi32, #tpu.memory_space<vmem>>
      %dma_wait3A_185 = tpu.memref_slice %arg2[%add3A_88] : memref<200000xi32, #tpu.memory_space<hbm>> -> memref<1568xi32, #tpu.memory_space<hbm>>
      %dma_wait3A_186 = arith.constant 0 : i32
      %dma_wait3A_187 = tpu.memref_slice %arg7[%dma_wait3A_186] : memref<1568xi32, #tpu.memory_space<vmem>> -> memref<1568xi32, #tpu.memory_space<vmem>>
      %dma_wait3A_188 = tpu.memref_slice %arg2[%add3A_88] : memref<200000xi32, #tpu.memory_space<hbm>> -> memref<1568xi32, #tpu.memory_space<hbm>>
      tpu.wait_dma2 semaphore(%arg11 : memref<!tpu.dma_semaphore, #tpu.memory_space<semaphore_mem>>) src(%dma_wait3A_188 : memref<1568xi32, #tpu.memory_space<hbm>>) dst(%dma_wait3A_187 : memref<1568xi32, #tpu.memory_space<vmem>>)
      %dma_wait3A_189 = arith.constant 0 : i32
      %dma_wait3A_190 = arith.constant 0 : i32
      %dma_wait3A_191 = tpu.memref_slice %arg9[%dma_wait3A_189, %dma_wait3A_190] : memref<1568x16xf32, #tpu.memory_space<vmem>> -> memref<1568x16xf32, #tpu.memory_space<vmem>>
      %dma_wait3A_192 = tpu.memref_slice %arg3[%mul3A_90, %add3A_93] : memref<25000x128xf32, #tpu.memory_space<hbm>> -> memref<1568x16xf32, #tpu.memory_space<hbm>>
      %dma_wait3A_193 = arith.constant 0 : i32
      %dma_wait3A_194 = arith.constant 0 : i32
      %dma_wait3A_195 = tpu.memref_slice %arg9[%dma_wait3A_193, %dma_wait3A_194] : memref<1568x16xf32, #tpu.memory_space<vmem>> -> memref<1568x16xf32, #tpu.memory_space<vmem>>
      %dma_wait3A_196 = tpu.memref_slice %arg3[%mul3A_90, %add3A_93] : memref<25000x128xf32, #tpu.memory_space<hbm>> -> memref<1568x16xf32, #tpu.memory_space<hbm>>
      tpu.wait_dma2 semaphore(%arg13 : memref<!tpu.dma_semaphore, #tpu.memory_space<semaphore_mem>>) src(%dma_wait3A_196 : memref<1568x16xf32, #tpu.memory_space<hbm>>) dst(%dma_wait3A_195 : memref<1568x16xf32, #tpu.memory_space<vmem>>)
      "tpu.region"() ({
        %run_scoped3A = tpu.sem_alloc : memref<!tpu.dma_semaphore, #tpu.memory_space<semaphore_mem>>
        %dma_start3A_211 = arith.constant 0 : i32
        %dma_start3A_212 = arith.constant 0 : i32
        %dma_start3A_213 = tpu.memref_slice %arg9[%dma_start3A_211, %dma_start3A_212] : memref<1568x16xf32, #tpu.memory_space<vmem>> -> memref<1568x16xf32, #tpu.memory_space<vmem>>
        %dma_start3A_214 = arith.constant 0 : i32
        %dma_start3A_215 = tpu.memref_slice %arg7[%dma_start3A_214] : memref<1568xi32, #tpu.memory_space<vmem>> -> memref<1568xi32, #tpu.memory_space<vmem>>
        %dma_start3A_216 = arith.constant 0 : i32
        %dma_start3A_217 = arith.constant 0 : i32
        %dma_start3A_218 = tpu.memref_slice %arg6[%dma_start3A_216, %dma_start3A_217] : memref<50048x16xf32, #tpu.memory_space<vmem_shared>> -> memref<50048x16xf32, #tpu.memory_space<vmem_shared>>
        tpu.enqueue_indirect_dma source(%dma_start3A_213 : memref<1568x16xf32, #tpu.memory_space<vmem>>) target(%dma_start3A_218 : memref<50048x16xf32, #tpu.memory_space<vmem_shared>>) offsets(%dma_start3A_215 : memref<1568xi32, #tpu.memory_space<vmem>>) semaphore(%run_scoped3A : memref<!tpu.dma_semaphore, #tpu.memory_space<semaphore_mem>>) {add = true}
        %dma_wait3A_219 = arith.constant 0 : i32
        %dma_wait3A_220 = arith.constant 0 : i32
        %dma_wait3A_221 = tpu.memref_slice %arg9[%dma_wait3A_219, %dma_wait3A_220] : memref<1568x16xf32, #tpu.memory_space<vmem>> -> memref<1568x16xf32, #tpu.memory_space<vmem>>
        %dma_wait3A_222 = arith.constant 0 : i32
        %dma_wait3A_223 = tpu.memref_slice %arg7[%dma_wait3A_222] : memref<1568xi32, #tpu.memory_space<vmem>> -> memref<1568xi32, #tpu.memory_space<vmem>>
        %dma_wait3A_224 = arith.constant 0 : i32
        %dma_wait3A_225 = arith.constant 0 : i32
        %dma_wait3A_226 = tpu.memref_slice %arg6[%dma_wait3A_224, %dma_wait3A_225] : memref<50048x16xf32, #tpu.memory_space<vmem_shared>> -> memref<50048x16xf32, #tpu.memory_space<vmem_shared>>
        tpu.wait_indirect_dma semaphore(%run_scoped3A : memref<!tpu.dma_semaphore, #tpu.memory_space<semaphore_mem>>) src(%dma_wait3A_221 : memref<1568x16xf32, #tpu.memory_space<vmem>>) dst(%dma_wait3A_226 : memref<50048x16xf32, #tpu.memory_space<vmem_shared>>)
        tpu.yield
      }) : () -> ()
      %dma_wait3A_197 = arith.constant 0 : i32
      %dma_wait3A_198 = tpu.memref_slice %arg8[%dma_wait3A_197] : memref<1568xi32, #tpu.memory_space<vmem>> -> memref<1536xi32, #tpu.memory_space<vmem>>
      %dma_wait3A_199 = tpu.memref_slice %arg2[%add3A_95] : memref<200000xi32, #tpu.memory_space<hbm>> -> memref<1536xi32, #tpu.memory_space<hbm>>
      %dma_wait3A_200 = arith.constant 0 : i32
      %dma_wait3A_201 = tpu.memref_slice %arg8[%dma_wait3A_200] : memref<1568xi32, #tpu.memory_space<vmem>> -> memref<1536xi32, #tpu.memory_space<vmem>>
      %dma_wait3A_202 = tpu.memref_slice %arg2[%add3A_95] : memref<200000xi32, #tpu.memory_space<hbm>> -> memref<1536xi32, #tpu.memory_space<hbm>>
      tpu.wait_dma2 semaphore(%arg12 : memref<!tpu.dma_semaphore, #tpu.memory_space<semaphore_mem>>) src(%dma_wait3A_202 : memref<1536xi32, #tpu.memory_space<hbm>>) dst(%dma_wait3A_201 : memref<1536xi32, #tpu.memory_space<vmem>>)
      %dma_wait3A_203 = arith.constant 0 : i32
      %dma_wait3A_204 = arith.constant 0 : i32
      %dma_wait3A_205 = tpu.memref_slice %arg10[%dma_wait3A_203, %dma_wait3A_204] : memref<1568x16xf32, #tpu.memory_space<vmem>> -> memref<1536x16xf32, #tpu.memory_space<vmem>>
      %dma_wait3A_206 = tpu.memref_slice %arg3[%add3A_97, %add3A_93] : memref<25000x128xf32, #tpu.memory_space<hbm>> -> memref<1536x16xf32, #tpu.memory_space<hbm>>
      %dma_wait3A_207 = arith.constant 0 : i32
      %dma_wait3A_208 = arith.constant 0 : i32
      %dma_wait3A_209 = tpu.memref_slice %arg10[%dma_wait3A_207, %dma_wait3A_208] : memref<1568x16xf32, #tpu.memory_space<vmem>> -> memref<1536x16xf32, #tpu.memory_space<vmem>>
      %dma_wait3A_210 = tpu.memref_slice %arg3[%add3A_97, %add3A_93] : memref<25000x128xf32, #tpu.memory_space<hbm>> -> memref<1536x16xf32, #tpu.memory_space<hbm>>
      tpu.wait_dma2 semaphore(%arg14 : memref<!tpu.dma_semaphore, #tpu.memory_space<semaphore_mem>>) src(%dma_wait3A_210 : memref<1536x16xf32, #tpu.memory_space<hbm>>) dst(%dma_wait3A_209 : memref<1536x16xf32, #tpu.memory_space<vmem>>)
      "tpu.region"() ({
        %run_scoped3A = tpu.sem_alloc : memref<!tpu.dma_semaphore, #tpu.memory_space<semaphore_mem>>
        %dma_start3A_211 = arith.constant 0 : i32
        %dma_start3A_212 = arith.constant 0 : i32
        %dma_start3A_213 = tpu.memref_slice %arg10[%dma_start3A_211, %dma_start3A_212] : memref<1568x16xf32, #tpu.memory_space<vmem>> -> memref<1536x16xf32, #tpu.memory_space<vmem>>
        %dma_start3A_214 = arith.constant 0 : i32
        %dma_start3A_215 = tpu.memref_slice %arg8[%dma_start3A_214] : memref<1568xi32, #tpu.memory_space<vmem>> -> memref<1536xi32, #tpu.memory_space<vmem>>
        %dma_start3A_216 = arith.constant 0 : i32
        %dma_start3A_217 = arith.constant 0 : i32
        %dma_start3A_218 = tpu.memref_slice %arg6[%dma_start3A_216, %dma_start3A_217] : memref<50048x16xf32, #tpu.memory_space<vmem_shared>> -> memref<50048x16xf32, #tpu.memory_space<vmem_shared>>
        tpu.enqueue_indirect_dma source(%dma_start3A_213 : memref<1536x16xf32, #tpu.memory_space<vmem>>) target(%dma_start3A_218 : memref<50048x16xf32, #tpu.memory_space<vmem_shared>>) offsets(%dma_start3A_215 : memref<1536xi32, #tpu.memory_space<vmem>>) semaphore(%run_scoped3A : memref<!tpu.dma_semaphore, #tpu.memory_space<semaphore_mem>>) {add = true}
        %dma_wait3A_219 = arith.constant 0 : i32
        %dma_wait3A_220 = arith.constant 0 : i32
        %dma_wait3A_221 = tpu.memref_slice %arg10[%dma_wait3A_219, %dma_wait3A_220] : memref<1568x16xf32, #tpu.memory_space<vmem>> -> memref<1536x16xf32, #tpu.memory_space<vmem>>
        %dma_wait3A_222 = arith.constant 0 : i32
        %dma_wait3A_223 = tpu.memref_slice %arg8[%dma_wait3A_222] : memref<1568xi32, #tpu.memory_space<vmem>> -> memref<1536xi32, #tpu.memory_space<vmem>>
        %dma_wait3A_224 = arith.constant 0 : i32
        %dma_wait3A_225 = arith.constant 0 : i32
        %dma_wait3A_226 = tpu.memref_slice %arg6[%dma_wait3A_224, %dma_wait3A_225] : memref<50048x16xf32, #tpu.memory_space<vmem_shared>> -> memref<50048x16xf32, #tpu.memory_space<vmem_shared>>
        tpu.wait_indirect_dma semaphore(%run_scoped3A : memref<!tpu.dma_semaphore, #tpu.memory_space<semaphore_mem>>) src(%dma_wait3A_221 : memref<1536x16xf32, #tpu.memory_space<vmem>>) dst(%dma_wait3A_226 : memref<50048x16xf32, #tpu.memory_space<vmem_shared>>)
        tpu.yield
      }) : () -> ()
    } else {
    }
    %barrier3A = arith.constant 0 : index
    tpu.barrier barrier_id(%barrier3A)
    %mul3A_17 = arith.constant 3125 : i32
    %mul3A_18 = arith.muli %arg1, %mul3A_17 : i32
    %mul3A_19 = arith.constant 16 : i32
    %mul3A_20 = arith.muli %arg0, %mul3A_19 : i32
    "tpu.region"() ({
      %run_scoped3A = tpu.sem_alloc : memref<!tpu.dma_semaphore, #tpu.memory_space<semaphore_mem>>
      %dma_start3A = tpu.memref_slice %arg5[%mul3A_18, %mul3A_20] : memref<50000x32xf32, #tpu.memory_space<hbm>> -> memref<3125x16xf32, #tpu.memory_space<hbm>>
      %dma_start3A_21 = arith.constant 0 : i32
      %dma_start3A_22 = tpu.memref_slice %arg6[%mul3A_18, %dma_start3A_21] : memref<50048x16xf32, #tpu.memory_space<vmem_shared>> -> memref<3125x16xf32, #tpu.memory_space<vmem_shared>>
      tpu.enqueue_dma source(%dma_start3A_22 : memref<3125x16xf32, #tpu.memory_space<vmem_shared>>) target(%dma_start3A : memref<3125x16xf32, #tpu.memory_space<hbm>>) target_semaphore(%run_scoped3A : memref<!tpu.dma_semaphore, #tpu.memory_space<semaphore_mem>>)
      %dma_wait3A = tpu.memref_slice %arg5[%mul3A_18, %mul3A_20] : memref<50000x32xf32, #tpu.memory_space<hbm>> -> memref<3125x16xf32, #tpu.memory_space<hbm>>
      %dma_wait3A_23 = arith.constant 0 : i32
      %dma_wait3A_24 = tpu.memref_slice %arg6[%mul3A_18, %dma_wait3A_23] : memref<50048x16xf32, #tpu.memory_space<vmem_shared>> -> memref<3125x16xf32, #tpu.memory_space<vmem_shared>>
      tpu.wait_dma2 semaphore(%run_scoped3A : memref<!tpu.dma_semaphore, #tpu.memory_space<semaphore_mem>>) src(%dma_wait3A_24 : memref<3125x16xf32, #tpu.memory_space<vmem_shared>>) dst(%dma_wait3A : memref<3125x16xf32, #tpu.memory_space<hbm>>)
      tpu.yield
    }) : () -> ()
    return
  }
}

module attributes {stable_mosaic.version = 14 : i64} {
  func.func @_tc_body(%arg0: i32, %arg1: memref<1024x64xf32, #tpu.memory_space<vmem>>, %arg2: memref<1024x128xf32, #tpu.memory_space<vmem>>, %arg3: memref<128x2048xf32, #tpu.memory_space<vmem>>, %arg4: memref<64x2048xf32, #tpu.memory_space<vmem>>, %arg5: memref<2048x128xf32, #tpu.memory_space<vmem>>, %arg6: memref<128x128xf32, #tpu.memory_space<vmem>>, %arg7: memref<1024x128xf32, #tpu.memory_space<vmem>>) attributes {dimension_semantics = [#tpu.dimension_semantics<arbitrary>], iteration_bounds = array<i64: 25>, scalar_prefetch = 0 : i64, scratch_operands = 0 : i64, tpu.core_type = #tpu.core_type<tc>, window_params = [{transform_indices = @transform_0, window_bounds = array<i64: 1024, 64>}, {transform_indices = @transform_1, window_bounds = array<i64: 1024, 128>}, {pipeline_mode = #tpu.pipeline_mode<synchronous>, transform_indices = @transform_2, window_bounds = array<i64: 128, 2048>}, {pipeline_mode = #tpu.pipeline_mode<synchronous>, transform_indices = @transform_3, window_bounds = array<i64: 64, 2048>}, {pipeline_mode = #tpu.pipeline_mode<synchronous>, transform_indices = @transform_4, window_bounds = array<i64: 2048, 128>}, {pipeline_mode = #tpu.pipeline_mode<synchronous>, transform_indices = @transform_5, window_bounds = array<i64: 128, 128>}, {transform_indices = @transform_6, window_bounds = array<i64: 1024, 128>}]} {
    %get3A = arith.constant 0 : index
    %get3A_0 = arith.constant 0 : index
    %get3A_1 = vector.load %arg1[%get3A, %get3A_0] : memref<1024x64xf32, #tpu.memory_space<vmem>>, vector<1024x64xf32>
    %get3A_2 = arith.constant 0 : index
    %get3A_3 = arith.constant 0 : index
    %get3A_4 = vector.load %arg2[%get3A_2, %get3A_3] : memref<1024x128xf32, #tpu.memory_space<vmem>>, vector<1024x128xf32>
    %get3A_5 = arith.constant 0 : index
    %get3A_6 = arith.constant 0 : index
    %get3A_7 = vector.load %arg4[%get3A_5, %get3A_6] : memref<64x2048xf32, #tpu.memory_space<vmem>>, vector<64x2048xf32>
    %dot_general3A = arith.constant dense<0.000000e+00> : vector<1024x2048xf32>
    %dot_general3A_8 = tpu.matmul %get3A_1, %get3A_7, %dot_general3A {dimension_numbers = #tpu.dot_dimension_numbers<[1], [0], [0], [1], [0, 0, 1, 1], [], []>, transpose_lhs_hint = false} : vector<1024x64xf32>, vector<64x2048xf32>, vector<1024x2048xf32> -> vector<1024x2048xf32>
    %get3A_9 = arith.constant 0 : index
    %get3A_10 = arith.constant 0 : index
    %get3A_11 = vector.load %arg3[%get3A_9, %get3A_10] : memref<128x2048xf32, #tpu.memory_space<vmem>>, vector<128x2048xf32>
    %dot_general3A_12 = arith.constant dense<0.000000e+00> : vector<1024x2048xf32>
    %dot_general3A_13 = tpu.matmul %get3A_4, %get3A_11, %dot_general3A_12 {dimension_numbers = #tpu.dot_dimension_numbers<[1], [0], [0], [1], [0, 0, 1, 1], [], []>, transpose_lhs_hint = false} : vector<1024x128xf32>, vector<128x2048xf32>, vector<1024x2048xf32> -> vector<1024x2048xf32>
    %mul3A = arith.mulf %dot_general3A_8, %dot_general3A_13 : vector<1024x2048xf32>
    %get3A_14 = arith.constant 0 : index
    %get3A_15 = arith.constant 0 : index
    %get3A_16 = vector.load %arg5[%get3A_14, %get3A_15] : memref<2048x128xf32, #tpu.memory_space<vmem>>, vector<2048x128xf32>
    %dot_general3A_17 = arith.constant dense<0.000000e+00> : vector<1024x128xf32>
    %dot_general3A_18 = tpu.matmul %mul3A, %get3A_16, %dot_general3A_17 {dimension_numbers = #tpu.dot_dimension_numbers<[1], [0], [0], [1], [0, 0, 1, 1], [], []>, transpose_lhs_hint = false} : vector<1024x2048xf32>, vector<2048x128xf32>, vector<1024x128xf32> -> vector<1024x128xf32>
    %get3A_19 = arith.constant 0 : index
    %get3A_20 = arith.constant 0 : index
    %get3A_21 = vector.load %arg6[%get3A_19, %get3A_20] : memref<128x128xf32, #tpu.memory_space<vmem>>, vector<128x128xf32>
    %dot_general3A_22 = arith.constant dense<0.000000e+00> : vector<1024x128xf32>
    %dot_general3A_23 = tpu.matmul %get3A_4, %get3A_21, %dot_general3A_22 {dimension_numbers = #tpu.dot_dimension_numbers<[1], [0], [0], [1], [0, 0, 1, 1], [], []>, transpose_lhs_hint = false} : vector<1024x128xf32>, vector<128x128xf32>, vector<1024x128xf32> -> vector<1024x128xf32>
    %add3A = arith.addf %dot_general3A_18, %dot_general3A_23 : vector<1024x128xf32>
    %swap3A = arith.constant 0 : index
    %swap3A_24 = arith.constant 0 : index
    %swap3A_25 = vector.load %arg7[%swap3A, %swap3A_24] : memref<1024x128xf32, #tpu.memory_space<vmem>>, vector<1024x128xf32>
    tpu.vector_store %arg7[%swap3A, %swap3A_24], %add3A {strides = array<i32>} : memref<1024x128xf32, #tpu.memory_space<vmem>>, vector<1024x128xf32>,
    return
  }
  func.func @transform_0(%arg0: i32) -> (i32, i32) {
    %c0_i32 = arith.constant 0 : i32
    %c0_i32_0 = arith.constant 0 : i32
    return %arg0, %c0_i32 : i32, i32
  }
  func.func @transform_1(%arg0: i32) -> (i32, i32) {
    %c0_i32 = arith.constant 0 : i32
    %c0_i32_0 = arith.constant 0 : i32
    return %arg0, %c0_i32 : i32, i32
  }
  func.func @transform_2(%arg0: i32) -> (i32, i32) {
    %c0_i32 = arith.constant 0 : i32
    %c0_i32_0 = arith.constant 0 : i32
    %c0_i32_1 = arith.constant 0 : i32
    return %c0_i32, %c0_i32_0 : i32, i32
  }
  func.func @transform_3(%arg0: i32) -> (i32, i32) {
    %c0_i32 = arith.constant 0 : i32
    %c0_i32_0 = arith.constant 0 : i32
    %c0_i32_1 = arith.constant 0 : i32
    return %c0_i32, %c0_i32_0 : i32, i32
  }
  func.func @transform_4(%arg0: i32) -> (i32, i32) {
    %c0_i32 = arith.constant 0 : i32
    %c0_i32_0 = arith.constant 0 : i32
    %c0_i32_1 = arith.constant 0 : i32
    return %c0_i32, %c0_i32_0 : i32, i32
  }
  func.func @transform_5(%arg0: i32) -> (i32, i32) {
    %c0_i32 = arith.constant 0 : i32
    %c0_i32_0 = arith.constant 0 : i32
    %c0_i32_1 = arith.constant 0 : i32
    return %c0_i32, %c0_i32_0 : i32, i32
  }
  func.func @transform_6(%arg0: i32) -> (i32, i32) {
    %c0_i32 = arith.constant 0 : i32
    %c0_i32_0 = arith.constant 0 : i32
    return %arg0, %c0_i32 : i32, i32
  }
}

</mosaic_0001>

<sc_bundles>
// kernel: kernel.6.cloned.1.call-start
scs
__scs_entry_jumppad:
0x0: {  	(pc) =	sbr.rel $0x88, $3  }
0x1: {  	(tag) =	ssettag $0x0;
	lr =	simm.s32 $0x1  }
0x2: {  	[smem:$0x3F9C] =	sst lr;
	_ =	strace $0xD0000000  }
0x3: {  	_ = 	snop  }
0x4: {  	_ = 	snop  }
0x5: {  	_ = 	snop  }
0x6: {  	_ = 	snop  }
0x7: {  	_ = 	snop  }
__scs_overlays_trampoline_lowered:
0x8: {  	[smem:$0x3FAB] =	sst s0  }
0x9: {  	[smem:$0x3FAC] =	sst s1  }
0xa: {  	[smem:$0x3FAD] =	sst s2  }
0xb: {  	[smem:$0x3FAE] =	sst s3  }
0xc: {  	[smem:$0x3FAF] =	sst s4  }
0xd: {  	[smem:$0x3FB0] =	sst s5  }
0xe: {  	[smem:$0x3FB1] =	sst s6  }
0xf: {  	[smem:$0x3FB2] =	sst s7  }
0x10: {  	[smem:$0x3FB3] =	sst s8  }
0x11: {  	[smem:$0x3FB4] =	sst s9;
	s0 =	simm.s32 @!p0 $0x0  }
0x12: {  	s1 =	sld [smem:$0x3F9A];
	s0 =	simm.s32 @p0 $0x1  }
0x13: {  	[smem:$0x3FB5] =	sst s0;
	s0 =	simm.s32 @!p1 $0x0  }
0x14: {  	s2 =	sld [smem:$0x3F99];
	s0 =	simm.s32 @p1 $0x1  }
0x15: {  	[smem:$0x3FB6] =	sst s0;
	s0 =	simm.s32 @!p2 $0x0  }
0x16: {  	s3 =	sld [smem:$0x3FDB];
	s0 =	simm.s32 @p2 $0x1  }
0x17: {  	s4 =	simm.s32 $0x1BF5;
	[smem:$0x3FB8] =	sst s0  }
0x18: {  	s0 =	sld [smem:$0x3F9B];
	_ =	swait.ge [sflag:s4], $0x0  }
0x19: {  	s7 =	sld [smem:$0x3F9C]  }
0x1a: {  	s8 =	sadd.s32 $0xFFFFE003, lr  }
0x1b: {  	s9 =	sadd.s32 $0xFFFFFEF7, lr;
	s5 =	simm.s32 $0xFFFFFFFF;
	p2 =	slt.u32 s8, $0xFFFFF086  }
0x1c: {  	p1 =	slt.u32 s9, $0xF7A;
	s5 =	simm.s32 @!p2 $0x0  }
0x1d: {  	s5 =	simm.s32 @p1 $0x1;
	p0 =	seq.s32 s7, s2  }
0x1e: {  	s7 =	smul.u32 @!p0 $0xF7A, s2;
	p2 =	seq.s32 @!p0 s5, $0x0  }
0x1f: {  	s9 =	smul.u32 $0xF7A, s1;
	s8 =	simm.s32 @!p0 $0x1BF5;
	p2 =	por !p2, p0  }
0x20: {  	[sflag:s8] =	ssyncset.s32 @!p0 $0xFFFFF086;
	s6 =	sadd.s32 @!p0 s3, s7;
	s7 =	simm.s32 @!p0 $0x108  }
0x21: {  	s3 =	sadd.s32 s3, s9;
	s6 =	sadd.s32 @!p0 $0x88, s6;
	s7 =	simm.s32 @p2 $0x1082  }
0x22: {  	[simem:s7], [sflag:s8] =	dma.local @!p0 [hbm:s6], $0xF7A  }
0x23: {  	s9 =	sor.u32 $0xD0000000, s2;
	s6 =	simm.s32 $0x108;
	_ =	swait.ge @!p0 [sflag:s8], $0x0  }
0x24: {  	s3 =	sadd.s32 $0x88, s3;
	s6 =	simm.s32 @!p1 $0x1082;
	[sflag:s4] =	ssyncset.s32 $0xFFFFF086  }
0x25: {  	[simem:s6], [sflag:s4] =	dma.local [hbm:s3], $0xF7A  }
0x26: {  	[smem:$0x3F9C] =	sst s1;
	(tag) =	ssettag s2;
	_ =	strace s9  }
0x27: {  	s1 =	sld [smem:$0x3FAC]  }
0x28: {  	s2 =	sld [smem:$0x3FAD]  }
0x29: {  	s4 =	sld [smem:$0x3FAF]  }
0x2a: {  	p0 =	seq.s32 s5, $0x0;
	s5 =	sld [smem:$0x3FB0]  }
0x2b: {  	s6 =	sld [smem:$0x3FB1]  }
0x2c: {  	s7 =	sld [smem:$0x3FB2]  }
0x2d: {  	s3 =	simm.s32 $0x108;
	s8 =	sld [smem:$0x3FB3]  }
0x2e: {  	s3 =	simm.s32 @!p0 $0x1082;
	s9 =	sld [smem:$0x3FB4]  }
0x2f: {  	lr =	sadd.s32 s0, s3;
	s0 =	sld [smem:$0x3FAB]  }
0x30: {  	s3 =	sld [smem:$0x3FAE]  }
0x31: {  	[smem:$0x3FB7] =	sst s10  }
0x32: {  	s10 =	sld [smem:$0x3FB5];
	_ =	sdelay $0x3  }
0x33: {  	p0 =	seq.s32 s10, $0x1;
	s10 =	sld [smem:$0x3FB7];
	_ =	sdelay $0x3  }
0x34: {  	[smem:$0x3FB7] =	sst s10  }
0x35: {  	s10 =	sld [smem:$0x3FB6];
	_ =	sdelay $0x3  }
0x36: {  	p1 =	seq.s32 s10, $0x1;
	s10 =	sld [smem:$0x3FB7];
	_ =	sdelay $0x3  }
0x37: {  	[smem:$0x3FB7] =	sst s10  }
0x38: {  	s10 =	sld [smem:$0x3FB8]  }
0x39: {  	_ = 	snop;
	(pc) =	sbr.ind lr, $3  }
0x3a: {  	_ = 	snop  }
0x3b: {  	_ = 	snop  }
0x3c: {  	p2 =	seq.s32 s10, $0x1;
	s10 =	sld [smem:$0x3FB7]  }
0x3d: {  	_ =	shalt  }
0x3e: {  	_ =	shalt  }
0x3f: {  	_ =	shalt  }
0x40: {  	_ =	shalt  }
0x41: {  	_ =	shalt  }
0x42: {  	_ =	shalt  }
0x43: {  	_ =	shalt  }
0x44: {  	_ =	shalt  }
0x45: {  	_ =	shalt  }
0x46: {  	_ =	shalt  }
0x47: {  	_ =	shalt  }
0x48: {  	_ =	shalt  }
0x49: {  	_ =	shalt  }
0x4a: {  	_ =	shalt  }
0x4b: {  	_ =	shalt  }
0x4c: {  	_ =	shalt  }
0x4d: {  	_ =	shalt  }
0x4e: {  	_ =	shalt  }
0x4f: {  	_ =	shalt  }
0x50: {  	_ =	shalt  }
0x51: {  	_ =	shalt  }
0x52: {  	_ =	shalt  }
0x53: {  	_ =	shalt  }
0x54: {  	_ =	shalt  }
0x55: {  	_ =	shalt  }
0x56: {  	_ =	shalt  }
0x57: {  	_ =	shalt  }
0x58: {  	_ =	shalt  }
0x59: {  	_ =	shalt  }
0x5a: {  	_ =	shalt  }
0x5b: {  	_ =	shalt  }
0x5c: {  	_ =	shalt  }
0x5d: {  	_ =	shalt  }
0x5e: {  	_ =	shalt  }
0x5f: {  	_ =	shalt  }
0x60: {  	_ =	shalt  }
0x61: {  	_ =	shalt  }
0x62: {  	_ =	shalt  }
0x63: {  	_ =	shalt  }
0x64: {  	_ =	shalt  }
0x65: {  	_ =	shalt  }
0x66: {  	_ =	shalt  }
0x67: {  	_ =	shalt  }
0x68: {  	_ =	shalt  }
0x69: {  	_ =	shalt  }
0x6a: {  	_ =	shalt  }
0x6b: {  	_ =	shalt  }
0x6c: {  	_ =	shalt  }
0x6d: {  	_ =	shalt  }
0x6e: {  	_ =	shalt  }
0x6f: {  	_ =	shalt  }
0x70: {  	_ =	shalt  }
0x71: {  	_ =	shalt  }
0x72: {  	_ =	shalt  }
0x73: {  	_ =	shalt  }
0x74: {  	_ =	shalt  }
0x75: {  	_ =	shalt  }
0x76: {  	_ =	shalt  }
0x77: {  	_ =	shalt  }
0x78: {  	_ =	shalt  }
0x79: {  	_ =	shalt  }
0x7a: {  	_ =	shalt  }
0x7b: {  	_ =	shalt  }
0x7c: {  	_ =	shalt  }
0x7d: {  	_ =	shalt  }
0x7e: {  	_ =	shalt  }
0x7f: {  	_ =	shalt  }
0x80: {  	_ =	shalt  }
0x81: {  	_ =	shalt  }
0x82: {  	_ =	shalt  }
0x83: {  	_ =	shalt  }
0x84: {  	_ =	shalt  }
0x85: {  	_ =	shalt  }
0x86: {  	_ =	shalt  }
0x87: {  	_ =	shalt  }
.Lfunc_end0:
.L_simem_size_0:
called_computation_lowered:
.L_overlay_start_0:
0x88: {  	s2 =	sld [smem:$0x3FD9]  }
0x89: {  	s3 =	sld [smem:$0x3FFE];
	_ =	sdelay $0x1  }
0x8a: {  	s1 =	srdreg.scid  }
0x8b: {  	s0 =	sand.u32 $0x1, s1  }
0x8c: {  	s17 =	sshll.u32 s0, $0xA;
	s2 =	sadd.s32 s3, s2  }
0x8d: {  	s2 =	sadd.s32 s2, s17  }
0x8e: {  	[smem:$0x3FC3] =	sst s2  }
0x8f: {  	_ = 	snop  }
0x90: {  	s2 =	sld [smem:$0x3FD0];
	(tm) =	ssettm $0x1  }
0x91: {  	s18 =	sld [smem:$0x3FFB];
	_ =	sdelay $0x3  }
0x92: {  	_ =	strace s18  }
0x93: {  	s3 =	sld [smem:$0x3FFC];
	_ =	sdelay $0x3  }
0x94: {  	_ =	strace s3  }
0x95: {  	s3 =	sld [smem:$0x3FFD];
	_ =	sdelay $0x3  }
0x96: {  	_ =	strace s3  }
0x97: {  	_ =	strace $0x8FFFFFFF  }
0x98: {  	s19 =	sld [smem:$0x3FDB];
	_ =	sdelay $0x1  }
0x99: {  	s4 =	simm.s32 $_scs_section_size  }
0x9a: {  	s5 =	simm.s32 $_size__tile_overlayer_lowered;
	s6 =	simm.s32 $_tile_overlayer_lowered  }
0x9b: {  	s22 =	simm.s32 $0x1BFF;
	s21 =	sshll.u32 s6, $0x1;
	s3 =	sadd.s32 s4, s19  }
0x9c: {  	s7 =	simm.s32 $0x0;
	s20 =	sshll.u32 s5, $0x1;
	s5 =	sadd.s32 s21, s3  }
0x9d: {  	[timem:s7], [sflag:s22] =	dma.local [hbm:s5], s20  }
0x9e: {  	_ =	swait.ge [sflag:s22], s20  }
0x9f: {  	s4 =	ssub.s32 $0x0, s20;
	[sflag:s22] =	ssyncset.done $0x0  }
0xa0: {  	[sflag:s22] =	ssyncadd.s32 s4;
	_ =	sdelay $0x1  }
0xa1: {  	s23 =	simm.s32 $0x1B8B  }
0xa2: {  	_ =	swait.ge [sflag:s23], $0x1  }
0xa3: {  	[sflag:s23] =	ssyncset.done $0x0  }
0xa4: {  	s25 =	simm.s32 $0x1B8E;
	s24 =	sld [smem:$0x3FFE];
	[sflag:s23] =	ssyncadd.s32 $0xFFFFFFFF  }
0xa5: {  	s26 =	simm.s32 $execute0_lowered;
	[smem:$0x3FD2] =	sst s25  }
0xa6: {  	s5 =	sshll.u32 s26, $0x1;
	_ =	strace $0x80000046;
	[dreg:$0x1] =	wrdreg $0xFFFFFFFF  }
0xa7: {  	s28 =	simm.s32 $_size_execute0_lowered;
	s3 =	sadd.s32 s3, s5;
	[dreg:$0x0] =	wrdreg $0x0  }
0xa8: {  	s5 =	sshll.u32 s28, $0x1;
	[dreg:$0x2] =	wrdreg s3  }
0xa9: {  	[dreg:$0x3] =	wrdreg s5  }
0xaa: {  	[dreg:$0x4] =	wrdreg $0xC0  }
0xab: {  	_ =	task [dreg:s7], $0x5FFFF  }
0xac: {  	[dreg:$0x1] =	wrdreg $0xFFFFFFFF  }
0xad: {  	[dreg:$0x0] =	wrdreg $0x60  }
0xae: {  	[dreg:$0x2] =	wrdreg s2  }
0xaf: {  	[dreg:$0x3] =	wrdreg s24  }
0xb0: {  	[dreg:$0x4] =	wrdreg $0x9  }
0xb1: {  	_ =	task.clear_ibuf [dreg:s7], $0x5FFFF;
	_ =	strace $0x90000046  }
0xb2: {  	s29 =	simm.s32 $0x9;
	_ =	strace $0x80000048  }
0xb3: {  	_ =	swait.ge [sflag:s29], $0x1  }
0xb4: {  	[sflag:s29] =	ssyncadd.s32 $0xFFFFFFFF  }
0xb5: {  	_ =	strace $0x90000048  }
0xb6: {  	_ =	sfence  }
0xb7: {  	s30 =	sld [smem:$0x0];
	_ =	sdelay $0x2  }
0xb8: {  	s31 =	sshll.u32 s1, $0xD;
	s1 =	sshrl.u32 s1, $0x2  }
0xb9: {  	s3 =	sand.u32 $0x4000, s31;
	s1 =	sadd.s32 s1, s30  }
0xba: {  	s0 =	sor.u32 s3, s0;
	s1 =	sshll.u32 s1, $0x11  }
0xbb: {  	s0 =	sor.u32 s1, s0  }
0xbc: {  	s0 =	sadd.s32 $0x8F2B, s0  }
0xbd: {  	[sflag:s0] =	ssyncadd.remote.s32 $0x1  }
0xbe: {  	_ =	sfence.sel $0xFFFF  }
0xbf: {  	[dreg:$0x0] =	wrdreg $0xFFFFFFFF;
	(pc) =	sbr.abs _section_cstart, $3  }
0xc0: {  	[dreg:$0x1] =	wrdreg $0xFFFFFFFF  }
0xc1: {  	_ =	task.clear_ibuf [dreg:s7], $0x2FFFF;
	_ =	strace $0x9FFFFFFF  }
0xc2: {  	(tm) =	ssettm $0x7FFFFFFF  }
0xc3: {  	_ =	shalt  }
tec
execute0_lowered:
.L_overlay_start_1:
0x0: {  	(tag) =	ssettag $0x1  }
0x1: {  	s0 =	stileid.u32  }
0x2: {  	s1 =	srdreg.scid;
	s3 =	sshll.u32 s0, $0x1  }
0x3: {  	s4 =	sand.u32 $0x1, s1;
	s21 =	sand.u32 $0x6, s3  }
0x4: {  	s6 =	sor.u32 s4, s21;
	s4 =	ssub.s32 $0x2, s4  }
0x5: {  	s2 =	rddreg [dreg:$0x0];
	s8 =	simm.s32 $0x0;
	s23 =	sshrl.u32 s4, $0x1  }
0x6: {  	s5 =	sshrl.u32 s0, $0x2;
	[smem:$0x7FF] =	sst s8;
	s8 =	ssub.s32 s4, s23  }
0x7: {  	s22 =	rddreg [dreg:$0x1];
	s7 =	smul.u32 $0x61A8, s5;
	s29 =	smax.u32 s8, $0x1  }
0x8: {  	p1 =	por $0x0, $0x0;
	s9 =	smul.u32 $0xC38, s6;
	s17 =	sadd.s32 $0xFFFFFFFF, s29  }
0x9: {  	s1 =	rddreg [dreg:$0x2];
	s25 =	smul.u32 $0x61C00, s6;
	p2 =	sne.s32 s17, $0x0  }
.Ltmp0:
0xa: {  	s26 =	sadd.s32 $0x7800, s22;
	s7 =	sadd.s32 s7, s9;
	(pc) =	sbr.rel @!p2 .LBB2_3-.Ltmp0, $4  }
0xb: {  	s30 =	sand.u32 $0xC, s0;
	s5 =	sshll.u32 s5, $0x5;
	s24 =	sshrl.u32 s7, $0x3  }
0xc: {  	_ =	strace $0x80000047;
	s28 =	sor.u32 s5, s25;
	s3 =	sadd.s32 s22, s24  }
0xd: {  	s31 =	sadd.s32 s30, s26;
	s4 =	sadd.s32 $0x46D4, s3;
	s3 =	sshrl.u32 s28, $0x3  }
0xe: {  	p0 =	seq.s32 s6, $0x7;
	s5 =	sadd.s32 $0x55880, s31;
	s3 =	sadd.s32 s26, s3  }
0xf: {  	s6 =	simm.s32 @p0 $0x0;
	s7 =	simm.s32 @p0 $0x2  }
0x10: {  	[tilespmem:s6], [sflag:$0x2] =	stream.linear.gather @p0 [hbm4b:s4+s6], $0xC20, $0x38;
	[tilespmem:$0x19338] =	vst v63  }
0x11: {  	_ =	swait.ge @p0 [sflag:s7], $0xC20  }
0x12: {  	s8 =	simm.s32 @p0 $0x1;
	[sflag:s7] =	ssyncset.done @p0 $0x0  }
0x13: {  	s9 =	simm.s32 @p0 $0xC20;
	s10 =	simm.s32 @p0 $0xC38;
	[sflag:s7] =	ssyncadd.s32 @p0 $0xFFFFF3E0  }
0x14: {  	[tilespmem:s10], [sflag:$0x1] =	stream.indirect.gather @p0 [hbm4b:s2+s9], $0x20, s6, s9, $0xb8;
	[tilespmem:$0x19338] =	vst v63  }
0x15: {  	_ =	swait.ge @p0 [sflag:s8], $0x18400  }
0x16: {  	[sflag:s8] =	ssyncset.done @p0 $0x0  }
0x17: {  	s12 =	simm.s32 @p0 $0x20;
	s13 =	simm.s32 @p0 $0x80;
	[sflag:s8] =	ssyncadd.s32 @p0 $0xFFFE7C00  }
0x18: {  	[hbm4b:s5+s12] =	stream.strided.scatter @p0 [tilespmem:s10], [sflag:$0x2], $0x18400, s13, s12, $0x38;
	[tilespmem:$0x19338] =	vst v63  }
0x19: {  	_ =	swait.ge @p0 [sflag:s7], $0x18400  }
0x1a: {  	[sflag:s7] =	ssyncset.done @p0 $0x0  }
0x1b: {  	s14 =	simm.s32 @!p0 $0x0;
	s11 =	simm.s32 @!p0 $0x2;
	[sflag:s7] =	ssyncadd.s32 @p0 $0xFFFE7C00  }
0x1c: {  	[tilespmem:s14], [sflag:$0x2] =	stream.linear.gather @!p0 [hbm4b:s4+s14], $0xC38, $0x38;
	[tilespmem:$0x19338] =	vst v63  }
0x1d: {  	_ =	swait.ge @!p0 [sflag:s11], $0xC38  }
0x1e: {  	s15 =	simm.s32 @!p0 $0xC38;
	[sflag:s11] =	ssyncset.done @!p0 $0x0  }
0x1f: {  	s16 =	simm.s32 @!p0 $0x1;
	s17 =	sadd.s32 $0xFFFFFFFF, s17;
	[sflag:s11] =	ssyncadd.s32 @!p0 $0xFFFFF3C8  }
0x20: {  	[tilespmem:s15], [sflag:$0x1] =	stream.indirect.gather @!p0 [hbm4b:s2+s15], $0x20, s14, s15, $0xb8;
	[tilespmem:$0x19338] =	vst v63  }
0x21: {  	p2 =	sne.s32 s17, $0x0;
	_ =	swait.ge @!p0 [sflag:s16], $0x18700  }
.Ltmp1:
0x22: {  	[sflag:s16] =	ssyncset.done @!p0 $0x0;
	(pc) =	sbr.rel @!p2 .LBB2_3-.Ltmp1, $4  }
0x23: {  	s18 =	simm.s32 @!p0 $0x20;
	s19 =	simm.s32 @!p0 $0x80;
	[sflag:s16] =	ssyncadd.s32 @!p0 $0xFFFE7900  }
0x24: {  	[hbm4b:s3+s18] =	stream.strided.scatter @!p0 [tilespmem:s15], [sflag:$0x2], $0x18700, s19, s18, $0x38;
	[tilespmem:$0x19338] =	vst v63  }
0x25: {  	_ =	swait.ge @!p0 [sflag:s11], $0x18700  }
0x26: {  	p1 =	por $0x1, $0x1;
	[sflag:s11] =	ssyncset.done @!p0 $0x0  }
.LBB2_2:
0x27: {  	[sflag:s11] =	ssyncadd.s32 @!p0 $0xFFFE7900  }
0x28: {  	[tilespmem:s6], [sflag:$0x2] =	stream.linear.gather @p0 [hbm4b:s4+s6], $0xC20, $0x38;
	[tilespmem:$0x19338] =	vst v63  }
0x29: {  	s17 =	sadd.s32 $0xFFFFFFFF, s17;
	_ =	swait.ge @p0 [sflag:s7], $0xC20  }
0x2a: {  	p2 =	sne.s32 s17, $0x0;
	[sflag:s7] =	ssyncset.done @p0 $0x0  }
0x2b: {  	[sflag:s7] =	ssyncadd.s32 @p0 $0xFFFFF3E0  }
0x2c: {  	[tilespmem:s10], [sflag:$0x1] =	stream.indirect.gather @p0 [hbm4b:s2+s9], $0x20, s6, s9, $0xb8;
	[tilespmem:$0x19338] =	vst v63  }
0x2d: {  	_ =	swait.ge @p0 [sflag:s8], $0x18400  }
0x2e: {  	[sflag:s8] =	ssyncset.done @p0 $0x0  }
0x2f: {  	[sflag:s8] =	ssyncadd.s32 @p0 $0xFFFE7C00  }
0x30: {  	[hbm4b:s5+s12] =	stream.strided.scatter @p0 [tilespmem:s10], [sflag:$0x2], $0x18400, s13, s12, $0x38;
	[tilespmem:$0x19338] =	vst v63  }
0x31: {  	_ =	swait.ge @p0 [sflag:s7], $0x18400  }
0x32: {  	[sflag:s7] =	ssyncset.done @p0 $0x0  }
0x33: {  	[sflag:s7] =	ssyncadd.s32 @p0 $0xFFFE7C00  }
0x34: {  	[tilespmem:s14], [sflag:$0x2] =	stream.linear.gather @!p0 [hbm4b:s4+s14], $0xC38, $0x38;
	[tilespmem:$0x19338] =	vst v63  }
0x35: {  	_ =	swait.ge @!p0 [sflag:s11], $0xC38  }
0x36: {  	[sflag:s11] =	ssyncset.done @!p0 $0x0  }
0x37: {  	[sflag:s11] =	ssyncadd.s32 @!p0 $0xFFFFF3C8  }
0x38: {  	[tilespmem:s15], [sflag:$0x1] =	stream.indirect.gather @!p0 [hbm4b:s2+s15], $0x20, s14, s15, $0xb8;
	[tilespmem:$0x19338] =	vst v63  }
0x39: {  	_ =	swait.ge @!p0 [sflag:s16], $0x18700  }
.Ltmp2:
0x3a: {  	[sflag:s16] =	ssyncset.done @!p0 $0x0;
	(pc) =	sbr.rel @p2 .LBB2_2-.Ltmp2, $4  }
0x3b: {  	[sflag:s16] =	ssyncadd.s32 @!p0 $0xFFFE7900  }
0x3c: {  	[hbm4b:s3+s18] =	stream.strided.scatter @!p0 [tilespmem:s15], [sflag:$0x2], $0x18700, s19, s18, $0x38;
	[tilespmem:$0x19338] =	vst v63  }
0x3d: {  	_ =	swait.ge @!p0 [sflag:s11], $0x18700  }
0x3e: {  	[sflag:s11] =	ssyncset.done @!p0 $0x0  }
.LBB2_3:
0x3f: {  	p1 =	por p0, !p1  }
0x40: {  	s6 =	simm.s32 @p0 $0x0;
	s7 =	simm.s32 @p0 $0x2;
	[sflag:s11] =	ssyncadd.s32 @!p1 $0xFFFE7900  }
0x41: {  	[tilespmem:s6], [sflag:$0x2] =	stream.linear.gather @p0 [hbm4b:s4+s6], $0xC20, $0x38;
	[tilespmem:$0x19338] =	vst v63  }
0x42: {  	_ =	swait.ge @p0 [sflag:s7], $0xC20  }
0x43: {  	s8 =	simm.s32 @p0 $0x1;
	[sflag:s7] =	ssyncset.done @p0 $0x0  }
0x44: {  	s9 =	simm.s32 @p0 $0xC20;
	s10 =	simm.s32 @p0 $0xC38;
	[sflag:s7] =	ssyncadd.s32 @p0 $0xFFFFF3E0  }
0x45: {  	[tilespmem:s10], [sflag:$0x1] =	stream.indirect.gather @p0 [hbm4b:s2+s9], $0x20, s6, s9, $0xb8;
	[tilespmem:$0x19338] =	vst v63  }
0x46: {  	_ =	swait.ge @p0 [sflag:s8], $0x18400  }
0x47: {  	[sflag:s8] =	ssyncset.done @p0 $0x0  }
0x48: {  	s6 =	simm.s32 @p0 $0x20;
	[sflag:s8] =	ssyncadd.s32 @p0 $0xFFFE7C00;
	s8 =	simm.s32 @p0 $0x80  }
0x49: {  	[hbm4b:s5+s6] =	stream.strided.scatter @p0 [tilespmem:s10], [sflag:$0x2], $0x18400, s8, s6, $0x38;
	[tilespmem:$0x19338] =	vst v63  }
0x4a: {  	_ =	swait.ge @p0 [sflag:s7], $0x18400  }
0x4b: {  	[sflag:s7] =	ssyncset.done @p0 $0x0  }
0x4c: {  	s5 =	simm.s32 @!p0 $0x0;
	s6 =	simm.s32 @!p0 $0x2;
	[sflag:s7] =	ssyncadd.s32 @p0 $0xFFFE7C00  }
0x4d: {  	[tilespmem:s5], [sflag:$0x2] =	stream.linear.gather @!p0 [hbm4b:s4+s5], $0xC38, $0x38;
	[tilespmem:$0x19338] =	vst v63  }
0x4e: {  	_ =	swait.ge @!p0 [sflag:s6], $0xC38  }
0x4f: {  	[sflag:s6] =	ssyncset.done @!p0 $0x0  }
0x50: {  	s7 =	simm.s32 @!p0 $0x1;
	s4 =	simm.s32 @!p0 $0xC38;
	[sflag:s6] =	ssyncadd.s32 @!p0 $0xFFFFF3C8  }
0x51: {  	[tilespmem:s4], [sflag:$0x1] =	stream.indirect.gather @!p0 [hbm4b:s2+s4], $0x20, s5, s4, $0xb8;
	[tilespmem:$0x19338] =	vst v63  }
0x52: {  	_ =	swait.ge @!p0 [sflag:s7], $0x18700  }
0x53: {  	[sflag:s7] =	ssyncset.done @!p0 $0x0  }
0x54: {  	s2 =	simm.s32 @!p0 $0x20;
	s5 =	simm.s32 @!p0 $0x80;
	[sflag:s7] =	ssyncadd.s32 @!p0 $0xFFFE7900  }
0x55: {  	[hbm4b:s3+s2] =	stream.strided.scatter @!p0 [tilespmem:s4], [sflag:$0x2], $0x18700, s5, s2, $0x38;
	[tilespmem:$0x19338] =	vst v63  }
0x56: {  	_ =	swait.ge @!p0 [sflag:s6], $0x18700  }
0x57: {  	[sflag:s6] =	ssyncset.done @!p0 $0x0  }
0x58: {  	[sflag:s6] =	ssyncadd.s32 @!p0 $0xFFFE7900  }
0x59: {  	_ =	sfence.sel $0x180000  }
0x5a: {  	[bflag:$0x0] =	sbarrier.arrive $0xFFFF  }
0x5b: {  	p0 =	sne.s32 s0, $0x0;
	_ =	strace $0x90000047  }
0x5c: {  	s0 =	sadd.s32 @!p0 $0x100000, s1;
	[bflag:$0x2] =	sbarrier.arrive $0xFFFF  }
0x5d: {  	[sflag:s0] =	ssyncadd.tile.s32 @!p0 $0x1;
	_ =	shalt  }
.Lfunc_end2:
_tile_overlayer_lowered:
.L_overlay_start_2:
0x5e: {  	(tag) =	ssettag $0x2  }
0x5f: {  	s0 =	rddreg [dreg:$0x0];
	s2 =	stileid.u32  }
0x60: {  	s1 =	rddreg [dreg:$0x1];
	p0 =	sne.s32 s2, $0x0  }
0x61: {  	s3 =	rddreg [dreg:$0x2];
	[bflag:$0x3] =	sbarrier.arrive $0xFFFF;
	s2 =	simm.s32 @!p0 $0x1C02  }
0x62: {  	[timem:s3], [sflag:s2] =	dma.local @!p0 [hbm:s0], s1  }
0x63: {  	s0 =	simm.s32 @!p0 $0x2  }
0x64: {  	_ =	swait.ge @!p0 [sflag:s0], s1  }
0x65: {  	s1 =	ssub.s32 @!p0 $0x0, s1;
	[sflag:s0] =	ssyncset.done @!p0 $0x0  }
0x66: {  	[sflag:s0] =	ssyncadd.s32 @!p0 s1  }
0x67: {  	[bflag:$0x3] =	sbarrier.arrive $0xFFFF  }
0x68: {  	_ =	shalt  }

// kernel: kernel.9.cloned.1.call-start
scs
__scs_entry_jumppad:
0x0: {  	(pc) =	sbr.rel $0x88, $3  }
0x1: {  	(tag) =	ssettag $0x0;
	lr =	simm.s32 $0x1  }
0x2: {  	[smem:$0x3F9C] =	sst lr;
	_ =	strace $0xD0000000  }
0x3: {  	_ = 	snop  }
0x4: {  	_ = 	snop  }
0x5: {  	_ = 	snop  }
0x6: {  	_ = 	snop  }
0x7: {  	_ = 	snop  }
__scs_overlays_trampoline_lowered:
0x8: {  	[smem:$0x3FAB] =	sst s0  }
0x9: {  	[smem:$0x3FAC] =	sst s1  }
0xa: {  	[smem:$0x3FAD] =	sst s2  }
0xb: {  	[smem:$0x3FAE] =	sst s3  }
0xc: {  	[smem:$0x3FAF] =	sst s4  }
0xd: {  	[smem:$0x3FB0] =	sst s5  }
0xe: {  	[smem:$0x3FB1] =	sst s6  }
0xf: {  	[smem:$0x3FB2] =	sst s7  }
0x10: {  	[smem:$0x3FB3] =	sst s8  }
0x11: {  	[smem:$0x3FB4] =	sst s9;
	s0 =	simm.s32 @!p0 $0x0  }
0x12: {  	s1 =	sld [smem:$0x3F9A];
	s0 =	simm.s32 @p0 $0x1  }
0x13: {  	[smem:$0x3FB5] =	sst s0;
	s0 =	simm.s32 @!p1 $0x0  }
0x14: {  	s2 =	sld [smem:$0x3F99];
	s0 =	simm.s32 @p1 $0x1  }
0x15: {  	[smem:$0x3FB6] =	sst s0;
	s0 =	simm.s32 @!p2 $0x0  }
0x16: {  	s3 =	sld [smem:$0x3FDB];
	s0 =	simm.s32 @p2 $0x1  }
0x17: {  	s4 =	simm.s32 $0x1BF5;
	[smem:$0x3FB8] =	sst s0  }
0x18: {  	s0 =	sld [smem:$0x3F9B];
	_ =	swait.ge [sflag:s4], $0x0  }
0x19: {  	s7 =	sld [smem:$0x3F9C]  }
0x1a: {  	s8 =	sadd.s32 $0xFFFFE003, lr  }
0x1b: {  	s9 =	sadd.s32 $0xFFFFFEF7, lr;
	s5 =	simm.s32 $0xFFFFFFFF;
	p2 =	slt.u32 s8, $0xFFFFF086  }
0x1c: {  	p1 =	slt.u32 s9, $0xF7A;
	s5 =	simm.s32 @!p2 $0x0  }
0x1d: {  	s5 =	simm.s32 @p1 $0x1;
	p0 =	seq.s32 s7, s2  }
0x1e: {  	s7 =	smul.u32 @!p0 $0xF7A, s2;
	p2 =	seq.s32 @!p0 s5, $0x0  }
0x1f: {  	s9 =	smul.u32 $0xF7A, s1;
	s8 =	simm.s32 @!p0 $0x1BF5;
	p2 =	por !p2, p0  }
0x20: {  	[sflag:s8] =	ssyncset.s32 @!p0 $0xFFFFF086;
	s6 =	sadd.s32 @!p0 s3, s7;
	s7 =	simm.s32 @!p0 $0x108  }
0x21: {  	s3 =	sadd.s32 s3, s9;
	s6 =	sadd.s32 @!p0 $0x88, s6;
	s7 =	simm.s32 @p2 $0x1082  }
0x22: {  	[simem:s7], [sflag:s8] =	dma.local @!p0 [hbm:s6], $0xF7A  }
0x23: {  	s9 =	sor.u32 $0xD0000000, s2;
	s6 =	simm.s32 $0x108;
	_ =	swait.ge @!p0 [sflag:s8], $0x0  }
0x24: {  	s3 =	sadd.s32 $0x88, s3;
	s6 =	simm.s32 @!p1 $0x1082;
	[sflag:s4] =	ssyncset.s32 $0xFFFFF086  }
0x25: {  	[simem:s6], [sflag:s4] =	dma.local [hbm:s3], $0xF7A  }
0x26: {  	[smem:$0x3F9C] =	sst s1;
	(tag) =	ssettag s2;
	_ =	strace s9  }
0x27: {  	s1 =	sld [smem:$0x3FAC]  }
0x28: {  	s2 =	sld [smem:$0x3FAD]  }
0x29: {  	s4 =	sld [smem:$0x3FAF]  }
0x2a: {  	p0 =	seq.s32 s5, $0x0;
	s5 =	sld [smem:$0x3FB0]  }
0x2b: {  	s6 =	sld [smem:$0x3FB1]  }
0x2c: {  	s7 =	sld [smem:$0x3FB2]  }
0x2d: {  	s3 =	simm.s32 $0x108;
	s8 =	sld [smem:$0x3FB3]  }
0x2e: {  	s3 =	simm.s32 @!p0 $0x1082;
	s9 =	sld [smem:$0x3FB4]  }
0x2f: {  	lr =	sadd.s32 s0, s3;
	s0 =	sld [smem:$0x3FAB]  }
0x30: {  	s3 =	sld [smem:$0x3FAE]  }
0x31: {  	[smem:$0x3FB7] =	sst s10  }
0x32: {  	s10 =	sld [smem:$0x3FB5];
	_ =	sdelay $0x3  }
0x33: {  	p0 =	seq.s32 s10, $0x1;
	s10 =	sld [smem:$0x3FB7];
	_ =	sdelay $0x3  }
0x34: {  	[smem:$0x3FB7] =	sst s10  }
0x35: {  	s10 =	sld [smem:$0x3FB6];
	_ =	sdelay $0x3  }
0x36: {  	p1 =	seq.s32 s10, $0x1;
	s10 =	sld [smem:$0x3FB7];
	_ =	sdelay $0x3  }
0x37: {  	[smem:$0x3FB7] =	sst s10  }
0x38: {  	s10 =	sld [smem:$0x3FB8]  }
0x39: {  	_ = 	snop;
	(pc) =	sbr.ind lr, $3  }
0x3a: {  	_ = 	snop  }
0x3b: {  	_ = 	snop  }
0x3c: {  	p2 =	seq.s32 s10, $0x1;
	s10 =	sld [smem:$0x3FB7]  }
0x3d: {  	_ =	shalt  }
0x3e: {  	_ =	shalt  }
0x3f: {  	_ =	shalt  }
0x40: {  	_ =	shalt  }
0x41: {  	_ =	shalt  }
0x42: {  	_ =	shalt  }
0x43: {  	_ =	shalt  }
0x44: {  	_ =	shalt  }
0x45: {  	_ =	shalt  }
0x46: {  	_ =	shalt  }
0x47: {  	_ =	shalt  }
0x48: {  	_ =	shalt  }
0x49: {  	_ =	shalt  }
0x4a: {  	_ =	shalt  }
0x4b: {  	_ =	shalt  }
0x4c: {  	_ =	shalt  }
0x4d: {  	_ =	shalt  }
0x4e: {  	_ =	shalt  }
0x4f: {  	_ =	shalt  }
0x50: {  	_ =	shalt  }
0x51: {  	_ =	shalt  }
0x52: {  	_ =	shalt  }
0x53: {  	_ =	shalt  }
0x54: {  	_ =	shalt  }
0x55: {  	_ =	shalt  }
0x56: {  	_ =	shalt  }
0x57: {  	_ =	shalt  }
0x58: {  	_ =	shalt  }
0x59: {  	_ =	shalt  }
0x5a: {  	_ =	shalt  }
0x5b: {  	_ =	shalt  }
0x5c: {  	_ =	shalt  }
0x5d: {  	_ =	shalt  }
0x5e: {  	_ =	shalt  }
0x5f: {  	_ =	shalt  }
0x60: {  	_ =	shalt  }
0x61: {  	_ =	shalt  }
0x62: {  	_ =	shalt  }
0x63: {  	_ =	shalt  }
0x64: {  	_ =	shalt  }
0x65: {  	_ =	shalt  }
0x66: {  	_ =	shalt  }
0x67: {  	_ =	shalt  }
0x68: {  	_ =	shalt  }
0x69: {  	_ =	shalt  }
0x6a: {  	_ =	shalt  }
0x6b: {  	_ =	shalt  }
0x6c: {  	_ =	shalt  }
0x6d: {  	_ =	shalt  }
0x6e: {  	_ =	shalt  }
0x6f: {  	_ =	shalt  }
0x70: {  	_ =	shalt  }
0x71: {  	_ =	shalt  }
0x72: {  	_ =	shalt  }
0x73: {  	_ =	shalt  }
0x74: {  	_ =	shalt  }
0x75: {  	_ =	shalt  }
0x76: {  	_ =	shalt  }
0x77: {  	_ =	shalt  }
0x78: {  	_ =	shalt  }
0x79: {  	_ =	shalt  }
0x7a: {  	_ =	shalt  }
0x7b: {  	_ =	shalt  }
0x7c: {  	_ =	shalt  }
0x7d: {  	_ =	shalt  }
0x7e: {  	_ =	shalt  }
0x7f: {  	_ =	shalt  }
0x80: {  	_ =	shalt  }
0x81: {  	_ =	shalt  }
0x82: {  	_ =	shalt  }
0x83: {  	_ =	shalt  }
0x84: {  	_ =	shalt  }
0x85: {  	_ =	shalt  }
0x86: {  	_ =	shalt  }
0x87: {  	_ =	shalt  }
.Lfunc_end0:
.L_simem_size_0:
called_computation.1_lowered:
.L_overlay_start_0:
0x88: {  	s2 =	sld [smem:$0x3FD9]  }
0x89: {  	s3 =	sld [smem:$0x3FFE];
	_ =	sdelay $0x1  }
0x8a: {  	s1 =	srdreg.scid  }
0x8b: {  	s0 =	sand.u32 $0x1, s1  }
0x8c: {  	s17 =	sshll.u32 s0, $0xA;
	s2 =	sadd.s32 s3, s2  }
0x8d: {  	s2 =	sadd.s32 s2, s17  }
0x8e: {  	[smem:$0x3FC3] =	sst s2  }
0x8f: {  	_ = 	snop  }
0x90: {  	s2 =	sld [smem:$0x3FD0];
	(tm) =	ssettm $0x1  }
0x91: {  	s18 =	sld [smem:$0x3FFB];
	_ =	sdelay $0x3  }
0x92: {  	_ =	strace s18  }
0x93: {  	s3 =	sld [smem:$0x3FFC];
	_ =	sdelay $0x3  }
0x94: {  	_ =	strace s3  }
0x95: {  	s3 =	sld [smem:$0x3FFD];
	_ =	sdelay $0x3  }
0x96: {  	_ =	strace s3  }
0x97: {  	_ =	strace $0x8FFFFFFF  }
0x98: {  	s19 =	sld [smem:$0x3FDB];
	_ =	sdelay $0x1  }
0x99: {  	s4 =	simm.s32 $_scs_section_size  }
0x9a: {  	s5 =	simm.s32 $_size__tile_overlayer_lowered;
	s6 =	simm.s32 $_tile_overlayer_lowered  }
0x9b: {  	s22 =	simm.s32 $0x1BFF;
	s21 =	sshll.u32 s6, $0x1;
	s3 =	sadd.s32 s4, s19  }
0x9c: {  	s7 =	simm.s32 $0x0;
	s20 =	sshll.u32 s5, $0x1;
	s5 =	sadd.s32 s21, s3  }
0x9d: {  	[timem:s7], [sflag:s22] =	dma.local [hbm:s5], s20  }
0x9e: {  	_ =	swait.ge [sflag:s22], s20  }
0x9f: {  	s4 =	ssub.s32 $0x0, s20;
	[sflag:s22] =	ssyncset.done $0x0  }
0xa0: {  	[sflag:s22] =	ssyncadd.s32 s4;
	_ =	sdelay $0x1  }
0xa1: {  	s23 =	simm.s32 $0x1B8B  }
0xa2: {  	_ =	swait.ge [sflag:s23], $0x1  }
0xa3: {  	[sflag:s23] =	ssyncset.done $0x0  }
0xa4: {  	s25 =	simm.s32 $0x1B8E;
	s24 =	sld [smem:$0x3FFE];
	[sflag:s23] =	ssyncadd.s32 $0xFFFFFFFF  }
0xa5: {  	s26 =	simm.s32 $execute0_lowered;
	[smem:$0x3FD2] =	sst s25  }
0xa6: {  	s5 =	sshll.u32 s26, $0x1;
	_ =	strace $0x80000049;
	[dreg:$0x1] =	wrdreg $0xFFFFFFFF  }
0xa7: {  	s28 =	simm.s32 $_size_execute0_lowered;
	s3 =	sadd.s32 s3, s5;
	[dreg:$0x0] =	wrdreg $0x0  }
0xa8: {  	s5 =	sshll.u32 s28, $0x1;
	[dreg:$0x2] =	wrdreg s3  }
0xa9: {  	[dreg:$0x3] =	wrdreg s5  }
0xaa: {  	[dreg:$0x4] =	wrdreg $0xC0  }
0xab: {  	_ =	task [dreg:s7], $0x5FFFF  }
0xac: {  	[dreg:$0x1] =	wrdreg $0xFFFFFFFF  }
0xad: {  	[dreg:$0x0] =	wrdreg $0x60  }
0xae: {  	[dreg:$0x2] =	wrdreg s24  }
0xaf: {  	[dreg:$0x3] =	wrdreg s2  }
0xb0: {  	[dreg:$0x4] =	wrdreg $0x0  }
0xb1: {  	[dreg:$0x5] =	wrdreg $0x9  }
0xb2: {  	_ =	task.clear_ibuf [dreg:s7], $0x6FFFF;
	_ =	strace $0x90000049  }
0xb3: {  	s29 =	simm.s32 $0x9;
	_ =	strace $0x8000004B  }
0xb4: {  	_ =	swait.ge [sflag:s29], $0x1  }
0xb5: {  	[sflag:s29] =	ssyncadd.s32 $0xFFFFFFFF  }
0xb6: {  	_ =	strace $0x9000004B  }
0xb7: {  	_ =	sfence  }
0xb8: {  	s30 =	sld [smem:$0x0];
	_ =	sdelay $0x2  }
0xb9: {  	s31 =	sshll.u32 s1, $0xD;
	s1 =	sshrl.u32 s1, $0x2  }
0xba: {  	s3 =	sand.u32 $0x4000, s31;
	s1 =	sadd.s32 s1, s30  }
0xbb: {  	s0 =	sor.u32 s3, s0;
	s1 =	sshll.u32 s1, $0x11  }
0xbc: {  	s0 =	sor.u32 s1, s0  }
0xbd: {  	s0 =	sadd.s32 $0x8F2B, s0  }
0xbe: {  	[sflag:s0] =	ssyncadd.remote.s32 $0x1  }
0xbf: {  	_ =	sfence.sel $0xFFFF  }
0xc0: {  	[dreg:$0x0] =	wrdreg $0xFFFFFFFF;
	(pc) =	sbr.abs _section_cstart, $3  }
0xc1: {  	[dreg:$0x1] =	wrdreg $0xFFFFFFFF  }
0xc2: {  	_ =	task.clear_ibuf [dreg:s7], $0x2FFFF;
	_ =	strace $0x9FFFFFFF  }
0xc3: {  	(tm) =	ssettm $0x7FFFFFFF  }
tec
execute0_lowered:
.L_overlay_start_1:
0x0: {  	(tag) =	ssettag $0x1  }
0x1: {  	s5 =	rddreg [dreg:$0x0]  }
0x2: {  	s0 =	rddreg [dreg:$0x1]  }
0x3: {  	s1 =	rddreg [dreg:$0x2];
	s3 =	simm.s32 $0x0;
	s2 =	srdreg.scid  }
0x4: {  	s20 =	stileid.u32;
	s28 =	simm.s32 $0x80;
	s29 =	simm.s32 $0xCFC0  }
0x5: {  	s30 =	simm.s32 $0x5;
	s31 =	simm.s32 $0xC9A0;
	[smem:$0x7FF] =	sst s3  }
0x6: {  	s6 =	sadd.s32 $0x1600, s5;
	s7 =	sand.u32 $0x1, s2;
	s8 =	sshrl.u32 s20, $0x3  }
0x7: {  	s2 =	sand.u32 $0x7, s20;
	s11 =	sadd.s32 $0x7800, s5;
	s16 =	smul.u32 $0x30E00, s20  }
0x8: {  	s4 =	sadd.s32 $0x69400, s5;
	_ =	strace $0x8000004A;
	s10 =	smul.u32 $0x61A8, s8  }
0x9: {  	s9 =	ssub.s32 $0x2, s7;
	s13 =	smul.u32 $0xC38, s2;
	s23 =	sor.u32 $0x2, s8  }
0xa: {  	s19 =	sshll.u32 s7, $0x4;
	s8 =	sshll.u32 s8, $0x5;
	s15 =	smul.u32 $0x61C00, s2  }
0xb: {  	p0 =	seq.s32 s2, $0x7;
	s2 =	simm.s32 $0x1;
	s12 =	sshrl.u32 s9, $0x1  }
0xc: {  	s14 =	smul.u32 $0x61A8, s23;
	s8 =	sor.u32 s19, s8;
	s16 =	sshrl.u32 s16, $0x2  }
0xd: {  	s9 =	ssub.s32 s9, s12;
	s24 =	sadd.s32 s13, s10;
	s12 =	sshll.u32 s23, $0x5  }
0xe: {  	s17 =	sadd.s32 $0x31000, s15;
	s25 =	sor.u32 s15, s8;
	s13 =	sadd.s32 s13, s14  }
0xf: {  	s12 =	sor.u32 s19, s12;
	s7 =	sshrl.u32 s24, $0x3;
	s18 =	sor.u32 s8, s17  }
0x10: {  	s24 =	sadd.s32 $0x5588, s10;
	s10 =	sadd.s32 $0x5BA8, s10;
	s8 =	sshrl.u32 s8, $0x3  }
0x11: {  	s21 =	sadd.s32 s6, s7;
	s7 =	sshrl.u32 s25, $0x3;
	s18 =	sshrl.u32 s18, $0x3  }
0x12: {  	s13 =	sshrl.u32 s13, $0x3;
	s15 =	sor.u32 s15, s12;
	s17 =	sor.u32 s17, s12  }
0x13: {  	s25 =	sadd.s32 $0x5588, s14;
	s14 =	sadd.s32 $0x5BA8, s14;
	s10 =	sshrl.u32 s10, $0x3  }
0x14: {  	s7 =	sadd.s32 s11, s7;
	s26 =	sadd.s32 s11, s18;
	s22 =	sadd.s32 s6, s13  }
0x15: {  	s18 =	sshrl.u32 s15, $0x3;
	s23 =	sshrl.u32 s17, $0x3;
	s10 =	sadd.s32 s6, s10  }
0x16: {  	s15 =	sshrl.u32 s14, $0x3;
	[dreg:$0x4] =	wrdreg s7;
	s7 =	sadd.s32 s16, s1  }
0x17: {  	[dreg:$0x5] =	wrdreg s26;
	s13 =	sadd.s32 s11, s18;
	s11 =	sadd.s32 s11, s23  }
0x18: {  	s26 =	sadd.s32 $0x5D080, s5;
	[dreg:$0x9] =	wrdreg s10;
	s5 =	sadd.s32 $0x63280, s5  }
0x19: {  	s16 =	smul.u32 $0x186A0, s20;
	s23 =	sshrl.u32 s12, $0x3;
	s14 =	smov.u32 s22  }
0x1a: {  	s22 =	sadd.s32 $0xC4, s22;
	s12 =	simm.s32 $0x618;
	[dreg:$0x6] =	wrdreg s13  }
0x1b: {  	[dreg:$0x7] =	wrdreg s11;
	s11 =	sshrl.u32 s24, $0x3;
	s13 =	sshrl.u32 s25, $0x3  }
0x1c: {  	s18 =	sadd.s32 s8, s26;
	s17 =	sadd.s32 s8, s5;
	s24 =	smul.u32 $0x30D40, s20  }
0x1d: {  	s20 =	sadd.s32 $0xC4, s21;
	s11 =	sadd.s32 s6, s11;
	[dreg:$0xc] =	wrdreg s18  }
0x1e: {  	s8 =	simm.s32 $0x620;
	s10 =	sadd.s32 s6, s13;
	[dreg:$0x8] =	wrdreg s11  }
0x1f: {  	s6 =	sadd.s32 s6, s15;
	s18 =	sadd.s32 s23, s26;
	[dreg:$0xa] =	wrdreg s10  }
0x20: {  	s15 =	smov.u32 s21;
	[dreg:$0xb] =	wrdreg s6;
	s6 =	sor.u32 s19, s16  }
.Ltmp0:
0x21: {  	s19 =	sadd.s32 s23, s5;
	s26 =	sshrl.u32 s24, $0x2;
	(pc) =	sbr.rel .LBB2_1-.Ltmp0, $4  }
0x22: {  	s23 =	smax.u32 s9, $0x1;
	s24 =	simm.s32 $0xC380;
	s5 =	simm.s32 $0x2  }
0x23: {  	s10 =	simm.s32 $0x4;
	s11 =	simm.s32 $0x600;
	s25 =	sshrl.u32 s6, $0x3  }
0x24: {  	s6 =	simm.s32 $0x3;
	s21 =	sadd.s32 s0, s25;
	s0 =	sadd.s32 s26, s1  }
0x25: {  	s26 =	simm.s32 $0x10;
	s25 =	sshrl.u32 s0, $0x3;
	s0 =	simm.s32 $0x131C0  }
.LBB2_3:
0x26: {  	s16 =	rddreg [dreg:$0x8]  }
0x27: {  	[tilespmem:s24], [sflag:$0x1] =	stream.linear.gather [hbm4b:s16+s3], $0x620, $0x38;
	[tilespmem:$0x193C0] =	vst v63  }
0x28: {  	s16 =	rddreg [dreg:$0xc]  }
0x29: {  	[tilespmem:s29], [sflag:$0x3] =	stream.strided.gather [hbm4b:s16+s26], $0x6200, s28, s26, $0x38;
	[tilespmem:$0x193C0] =	vst v63  }
0x2a: {  	[spmem:s13], [sflag:s9] =	dma.local [hbm:s4], $0x1870  }
0x2b: {  	_ =	swait.ge [sflag:s30], $0x1870  }
0x2c: {  	[sflag:s30] =	ssyncset.done $0x0  }
0x2d: {  	[sflag:s30] =	ssyncadd.s32 $0xFFFFE790  }
0x2e: {  	[bflag:$0x0] =	sbarrier.arrive $0xFFFF  }
0x2f: {  	s16 =	rddreg [dreg:$0x9]  }
0x30: {  	[tilespmem:s31], [sflag:$0x2] =	stream.linear.gather [hbm4b:s16+s3], $0x600, $0x38;
	[tilespmem:$0x193C0] =	vst v63  }
0x31: {  	_ = 	snop  }
0x32: {  	[tilespmem:s0], [sflag:$0x4] =	stream.strided.gather [hbm4b:s17+s26], $0x6000, s28, s26, $0x38;
	[tilespmem:$0x193C0] =	vst v63  }
0x33: {  	_ =	swait.ge [sflag:s2], $0x620  }
0x34: {  	[sflag:s2] =	ssyncset.done $0x0  }
0x35: {  	[sflag:s2] =	ssyncadd.s32 $0xFFFFF9E0  }
0x36: {  	_ =	swait.ge [sflag:s6], $0x6200  }
0x37: {  	[sflag:s6] =	ssyncset.done $0x0  }
0x38: {  	[sflag:s6] =	ssyncadd.s32 $0xFFFF9E00  }
0x39: {  	[spmem:s1] =	stream.indirect.scatter.add.f32 [tilespmem:s29], [sflag:$0x5], $0x10, s24, s8, $0xb8;
	[tilespmem:$0x193C0] =	vst v63  }
0x3a: {  	_ =	swait.ge [sflag:s30], $0x6200  }
0x3b: {  	[sflag:s30] =	ssyncset.done $0x0  }
0x3c: {  	s16 =	rddreg [dreg:$0xa];
	[sflag:s30] =	ssyncadd.s32 $0xFFFF9E00  }
0x3d: {  	[tilespmem:s24], [sflag:$0x1] =	stream.linear.gather [hbm4b:s16+s3], $0x620, $0x38;
	[tilespmem:$0x193C0] =	vst v63  }
0x3e: {  	_ = 	snop  }
0x3f: {  	[tilespmem:s29], [sflag:$0x3] =	stream.strided.gather [hbm4b:s18+s26], $0x6200, s28, s26, $0x38;
	[tilespmem:$0x193C0] =	vst v63  }
0x40: {  	_ =	swait.ge [sflag:s5], $0x600  }
0x41: {  	[sflag:s5] =	ssyncset.done $0x0  }
0x42: {  	[sflag:s5] =	ssyncadd.s32 $0xFFFFFA00  }
0x43: {  	_ =	swait.ge [sflag:s10], $0x6000  }
0x44: {  	[sflag:s10] =	ssyncset.done $0x0  }
0x45: {  	[sflag:s10] =	ssyncadd.s32 $0xFFFFA000  }
0x46: {  	[spmem:s1] =	stream.indirect.scatter.add.f32 [tilespmem:s0], [sflag:$0x5], $0x10, s31, s11, $0xb8;
	[tilespmem:$0x193C0] =	vst v63  }
0x47: {  	_ =	swait.ge [sflag:s30], $0x6000  }
0x48: {  	[sflag:s30] =	ssyncset.done $0x0  }
0x49: {  	s16 =	rddreg [dreg:$0xb];
	[sflag:s30] =	ssyncadd.s32 $0xFFFFA000  }
0x4a: {  	[tilespmem:s31], [sflag:$0x2] =	stream.linear.gather [hbm4b:s16+s3], $0x600, $0x38;
	[tilespmem:$0x193C0] =	vst v63  }
0x4b: {  	_ = 	snop  }
0x4c: {  	[tilespmem:s0], [sflag:$0x4] =	stream.strided.gather [hbm4b:s19+s26], $0x6000, s28, s26, $0x38;
	[tilespmem:$0x193C0] =	vst v63  }
0x4d: {  	_ =	swait.ge [sflag:s2], $0x620  }
0x4e: {  	[sflag:s2] =	ssyncset.done $0x0  }
0x4f: {  	[sflag:s2] =	ssyncadd.s32 $0xFFFFF9E0  }
0x50: {  	_ =	swait.ge [sflag:s6], $0x6200  }
0x51: {  	[sflag:s6] =	ssyncset.done $0x0  }
0x52: {  	[sflag:s6] =	ssyncadd.s32 $0xFFFF9E00  }
0x53: {  	[spmem:s1] =	stream.indirect.scatter.add.f32 [tilespmem:s29], [sflag:$0x5], $0x10, s24, s8, $0xb8;
	[tilespmem:$0x193C0] =	vst v63  }
0x54: {  	_ =	swait.ge [sflag:s30], $0x6200  }
0x55: {  	[sflag:s30] =	ssyncset.done $0x0  }
0x56: {  	[sflag:s30] =	ssyncadd.s32 $0xFFFF9E00  }
0x57: {  	_ =	swait.ge [sflag:s5], $0x600  }
0x58: {  	[sflag:s5] =	ssyncset.done $0x0  }
0x59: {  	[sflag:s5] =	ssyncadd.s32 $0xFFFFFA00  }
0x5a: {  	_ =	swait.ge [sflag:s10], $0x6000  }
0x5b: {  	[sflag:s10] =	ssyncset.done $0x0  }
0x5c: {  	[sflag:s10] =	ssyncadd.s32 $0xFFFFA000  }
0x5d: {  	[spmem:s1] =	stream.indirect.scatter.add.f32 [tilespmem:s0], [sflag:$0x5], $0x10, s31, s11, $0xb8;
	[tilespmem:$0x193C0] =	vst v63  }
0x5e: {  	_ =	swait.ge [sflag:s30], $0x6000  }
0x5f: {  	[sflag:s30] =	ssyncset.done $0x0  }
0x60: {  	[sflag:s30] =	ssyncadd.s32 $0xFFFFA000  }
.LBB2_4:
0x61: {  	s23 =	sadd.s32 $0xFFFFFFFF, s23  }
0x62: {  	p1 =	sne.s32 s23, $0x0  }
.Ltmp1:
0x63: {  	[bflag:$0x0] =	sbarrier.arrive $0xFFFF;
	(pc) =	sbr.rel @!p1 .LBB2_5-.Ltmp1, $4  }
0x64: {  	[hbm:s21@s10], [sflag:s9] =	dma.strided [spmem:s25@s5], $0x186A, s2, $0x2   }
0x65: {  	_ =	swait.ge [sflag:s30], $0x186A  }
0x66: {  	[sflag:s30] =	ssyncset.done $0x0  }
0x67: {  	[sflag:s30] =	ssyncadd.s32 $0xFFFFE796  }
.LBB2_1:
.Ltmp2:
0x68: {  	(pc) =	sbr.rel @p0 .LBB2_3-.Ltmp2, $4  }
0x69: {  	_ = 	snop  }
0x6a: {  	s9 =	stileid.u32  }
0x6b: {  	s9 =	sshll.u32 s9, $0x6  }
0x6c: {  	s13 =	sshrl.u32 s7, $0x3;
	s9 =	sor.u32 $0x1C05, s9  }
0x6d: {  	[tilespmem:s24], [sflag:$0x1] =	stream.linear.gather [hbm4b:s15+s3], $0x620, $0x38;
	[tilespmem:$0x193C0] =	vst v63  }
0x6e: {  	s16 =	rddreg [dreg:$0x4]  }
0x6f: {  	[tilespmem:s29], [sflag:$0x3] =	stream.strided.gather [hbm4b:s16+s26], $0x6200, s28, s26, $0x38;
	[tilespmem:$0x193C0] =	vst v63  }
0x70: {  	[spmem:s13], [sflag:s9] =	dma.local [hbm:s4], $0x1870  }
0x71: {  	_ =	swait.ge [sflag:s30], $0x1870  }
0x72: {  	[sflag:s30] =	ssyncset.done $0x0  }
0x73: {  	[sflag:s30] =	ssyncadd.s32 $0xFFFFE790  }
0x74: {  	[bflag:$0x0] =	sbarrier.arrive $0xFFFF  }
0x75: {  	[tilespmem:s31], [sflag:$0x2] =	stream.linear.gather [hbm4b:s20+s3], $0x618, $0x38;
	[tilespmem:$0x193C0] =	vst v63  }
0x76: {  	s16 =	rddreg [dreg:$0x5]  }
0x77: {  	[tilespmem:s0], [sflag:$0x4] =	stream.strided.gather [hbm4b:s16+s26], $0x6180, s28, s26, $0x38;
	[tilespmem:$0x193C0] =	vst v63  }
0x78: {  	_ =	swait.ge [sflag:s2], $0x620  }
0x79: {  	[sflag:s2] =	ssyncset.done $0x0  }
0x7a: {  	[sflag:s2] =	ssyncadd.s32 $0xFFFFF9E0  }
0x7b: {  	_ =	swait.ge [sflag:s6], $0x6200  }
0x7c: {  	[sflag:s6] =	ssyncset.done $0x0  }
0x7d: {  	[sflag:s6] =	ssyncadd.s32 $0xFFFF9E00  }
0x7e: {  	[spmem:s1] =	stream.indirect.scatter.add.f32 [tilespmem:s29], [sflag:$0x5], $0x10, s24, s8, $0xb8;
	[tilespmem:$0x193C0] =	vst v63  }
0x7f: {  	_ =	swait.ge [sflag:s30], $0x6200  }
0x80: {  	[sflag:s30] =	ssyncset.done $0x0  }
0x81: {  	[sflag:s30] =	ssyncadd.s32 $0xFFFF9E00  }
0x82: {  	[tilespmem:s24], [sflag:$0x1] =	stream.linear.gather [hbm4b:s14+s3], $0x620, $0x38;
	[tilespmem:$0x193C0] =	vst v63  }
0x83: {  	s16 =	rddreg [dreg:$0x6]  }
0x84: {  	[tilespmem:s29], [sflag:$0x3] =	stream.strided.gather [hbm4b:s16+s26], $0x6200, s28, s26, $0x38;
	[tilespmem:$0x193C0] =	vst v63  }
0x85: {  	_ =	swait.ge [sflag:s5], $0x618  }
0x86: {  	[sflag:s5] =	ssyncset.done $0x0  }
0x87: {  	[sflag:s5] =	ssyncadd.s32 $0xFFFFF9E8  }
0x88: {  	_ =	swait.ge [sflag:s10], $0x6180  }
0x89: {  	[sflag:s10] =	ssyncset.done $0x0  }
0x8a: {  	[sflag:s10] =	ssyncadd.s32 $0xFFFF9E80  }
0x8b: {  	[spmem:s1] =	stream.indirect.scatter.add.f32 [tilespmem:s0], [sflag:$0x5], $0x10, s31, s12, $0xb8;
	[tilespmem:$0x193C0] =	vst v63  }
0x8c: {  	_ =	swait.ge [sflag:s30], $0x6180  }
0x8d: {  	[sflag:s30] =	ssyncset.done $0x0  }
0x8e: {  	[sflag:s30] =	ssyncadd.s32 $0xFFFF9E80  }
0x8f: {  	[tilespmem:s31], [sflag:$0x2] =	stream.linear.gather [hbm4b:s22+s3], $0x618, $0x38;
	[tilespmem:$0x193C0] =	vst v63  }
0x90: {  	s16 =	rddreg [dreg:$0x7]  }
0x91: {  	[tilespmem:s0], [sflag:$0x4] =	stream.strided.gather [hbm4b:s16+s26], $0x6180, s28, s26, $0x38;
	[tilespmem:$0x193C0] =	vst v63  }
0x92: {  	_ =	swait.ge [sflag:s2], $0x620  }
0x93: {  	[sflag:s2] =	ssyncset.done $0x0  }
0x94: {  	[sflag:s2] =	ssyncadd.s32 $0xFFFFF9E0  }
0x95: {  	_ =	swait.ge [sflag:s6], $0x6200  }
0x96: {  	[sflag:s6] =	ssyncset.done $0x0  }
0x97: {  	[sflag:s6] =	ssyncadd.s32 $0xFFFF9E00  }
0x98: {  	[spmem:s1] =	stream.indirect.scatter.add.f32 [tilespmem:s29], [sflag:$0x5], $0x10, s24, s8, $0xb8;
	[tilespmem:$0x193C0] =	vst v63  }
0x99: {  	_ =	swait.ge [sflag:s30], $0x6200  }
0x9a: {  	[sflag:s30] =	ssyncset.done $0x0  }
0x9b: {  	[sflag:s30] =	ssyncadd.s32 $0xFFFF9E00  }
0x9c: {  	_ =	swait.ge [sflag:s5], $0x618  }
0x9d: {  	[sflag:s5] =	ssyncset.done $0x0  }
0x9e: {  	[sflag:s5] =	ssyncadd.s32 $0xFFFFF9E8  }
0x9f: {  	_ =	swait.ge [sflag:s10], $0x6180  }
0xa0: {  	[sflag:s10] =	ssyncset.done $0x0  }
.Ltmp3:
0xa1: {  	[sflag:s10] =	ssyncadd.s32 $0xFFFF9E80;
	(pc) =	sbr.rel .LBB2_4-.Ltmp3, $4  }
0xa2: {  	[spmem:s1] =	stream.indirect.scatter.add.f32 [tilespmem:s0], [sflag:$0x5], $0x10, s31, s12, $0xb8;
	[tilespmem:$0x193C0] =	vst v63  }
0xa3: {  	_ =	swait.ge [sflag:s30], $0x6180  }
0xa4: {  	[sflag:s30] =	ssyncset.done $0x0  }
0xa5: {  	[sflag:s30] =	ssyncadd.s32 $0xFFFF9E80  }
.LBB2_5:
0xa6: {  	_ =	sfence.sel $0x180000  }
0xa7: {  	[bflag:$0x0] =	sbarrier.arrive $0xFFFF  }
0xa8: {  	_ =	strace $0x9000004A  }
0xa9: {  	s0 =	stileid.u32;
	[bflag:$0x2] =	sbarrier.arrive $0xFFFF  }
0xaa: {  	p0 =	sne.s32 s0, $0x0;
	s0 =	rddreg [dreg:$0x3]  }
0xab: {  	s0 =	sadd.s32 @!p0 $0x100000, s0  }
0xac: {  	[sflag:s0] =	ssyncadd.tile.s32 @!p0 $0x1;
	_ =	shalt  }
.Lfunc_end2:
_tile_overlayer_lowered:
.L_overlay_start_2:
0xad: {  	(tag) =	ssettag $0x2  }
0xae: {  	s0 =	rddreg [dreg:$0x0];
	s2 =	stileid.u32  }
0xaf: {  	s1 =	rddreg [dreg:$0x1];
	p0 =	sne.s32 s2, $0x0  }
0xb0: {  	s3 =	rddreg [dreg:$0x2];
	[bflag:$0x3] =	sbarrier.arrive $0xFFFF;
	s2 =	simm.s32 @!p0 $0x1C05  }
0xb1: {  	[timem:s3], [sflag:s2] =	dma.local @!p0 [hbm:s0], s1  }
0xb2: {  	s0 =	simm.s32 @!p0 $0x5  }
0xb3: {  	_ =	swait.ge @!p0 [sflag:s0], s1  }
0xb4: {  	s1 =	ssub.s32 @!p0 $0x0, s1;
	[sflag:s0] =	ssyncset.done @!p0 $0x0  }
0xb5: {  	[sflag:s0] =	ssyncadd.s32 @!p0 s1  }
0xb6: {  	[bflag:$0x3] =	sbarrier.arrive $0xFFFF  }
0xb7: {  	_ =	shalt  }

</sc_bundles>
